<compile_context>
chip_gen: v7x
topology: tpu7x:2x2x1
jax: 0.10.2.dev20260603
libtpu: 0.0.44.dev20260713+nightly
codegen_flags: <defaults>
</compile_context>

<pallas_src>
import functools

import jax
import jax.numpy as jnp
from jax import lax
from jax.experimental import pallas as pl
from jax.experimental.pallas import tpu as pltpu
from jax.experimental.pallas import tpu_sc as plsc

NC, NS, L = 2, 16, 16
NW = NC * NS
NUM_IDX = 16384
D = 128
PER_W = NUM_IDX // NW
SIZES = (32, 96, 128, 128, 128)
OFFS = (0, 32, 128, 256, 384)
G = D // L

_mesh = plsc.VectorSubcoreMesh(
    core_axis_name="c", subcore_axis_name="s", num_cores=NC, num_subcores=NS)


@functools.partial(
    pl.kernel,
    out_type=jax.ShapeDtypeStruct((NC, L), jnp.float32),
    mesh=_mesh,
    compiler_params=pltpu.CompilerParams(
        needs_layout_passes=False,
        disable_bounds_checks=True,
        disable_semaphore_checks=True,
        skip_device_barrier=True,
    ),
    scratch_types=[
        pltpu.VMEM((PER_W,), jnp.int32),
        pltpu.VMEM((PER_W, D), jnp.float32),
        pltpu.VMEM((NS, D), jnp.float32),
        pltpu.VMEM((D,), jnp.int32),
        pltpu.VMEM((D,), jnp.float32),
        pltpu.VMEM((L,), jnp.float32),
        pltpu.VMEM_SHARED((NS, D), jnp.float32),
        pltpu.SemaphoreType.DMA,
        pltpu.SemaphoreType.DMA,
        pltpu.SemaphoreType.DMA,
    ],
)
def _sum_kernel(a_hbm, b_hbm, coef_hbm, out_hbm,
                idx_v, bufs, gath_v, bidx_v, colsum_v, out_v,
                shared, isem, sem, bsem):
    cid = lax.axis_index("c")
    sid = lax.axis_index("s")
    wid = cid * NS + sid
    base = wid * PER_W

    @pl.when(sid == 0)
    def _():
        pltpu.async_copy(b_hbm, bidx_v, bsem)

    ihandles = [
        pltpu.async_copy(a_hbm.at[pl.ds(base + o, n)],
                         idx_v.at[pl.ds(o, n)], isem)
        for o, n in zip(OFFS, SIZES)
    ]
    handles = []
    for i, (o, n) in enumerate(zip(OFFS, SIZES)):
        ihandles[i].wait()
        handles.append(
            pltpu.async_copy(coef_hbm.at[idx_v.at[pl.ds(o, n)]],
                             bufs.at[pl.ds(o, n)], sem))

    ROW_U = 4

    def accum(o, n, accs):
        def body(r0, a):
            a = list(a)
            for u in range(ROW_U):
                r = o + r0 * ROW_U + u
                for g in range(G):
                    a[g] = a[g] + bufs[r, pl.ds(g * L, L)]
            return tuple(a)
        return lax.fori_loop(0, n // ROW_U, body, accs)

    accs = tuple(jnp.zeros((L,), jnp.float32) for _ in range(G))
    for i, (o, n) in enumerate(zip(OFFS, SIZES)):
        handles[i].wait()
        accs = accum(o, n, accs)

    for g in range(G):
        colsum_v[pl.ds(g * L, L)] = accs[g]
    pltpu.sync_copy(colsum_v, shared.at[sid])
    plsc.subcore_barrier()

    @pl.when(sid == 0)
    def _():
        pltpu.sync_copy(shared, gath_v)
        pltpu.make_async_copy(b_hbm, bidx_v, bsem).wait()
        for g in range(G):
            acc = gath_v[0, pl.ds(g * L, L)]
            for s in range(1, NS):
                acc = acc + gath_v[s, pl.ds(g * L, L)]
            colsum_v[pl.ds(g * L, L)] = acc
        tot = jnp.zeros((L,), jnp.float32)
        for g in range(G):
            idxg = bidx_v[pl.ds(g * L, L)]
            tot = tot + plsc.load_gather(colsum_v, [idxg])
        s_val = jnp.sum(tot)
        lane = lax.iota(jnp.int32, L)
        out_v[...] = jnp.where(lane == 0, s_val, jnp.float32(0.0))
        pltpu.sync_copy(out_v, out_hbm.at[cid])


def kernel(a_indices, b_indices, coefficients):
    out = _sum_kernel(a_indices.astype(jnp.int32),
                      b_indices.astype(jnp.int32),
                      coefficients)
    return jnp.sum(out)

# --- scband reference (transcript-rebuilt; emitter-appended) ---
"""Pipeline reference for scband-sparse2-dlinear-70076686401684 (READ-ONLY COPY).

The authoritative reference and input builder live on the scoring server;
editing this copy changes nothing except your own understanding.
"""

import jax, jax.numpy as jnp
import numpy as np

NUM_A = 100000
NUM_B = 128

def setup_inputs(seed: int = 0) -> dict:
    key = jax.random.key(seed)
    k1, k2, k3 = jax.random.split(key, 3)
    a_indices = jax.random.randint(k1, (16384,), 0, NUM_A, dtype=jnp.int64) if jax.config.jax_enable_x64 else jax.random.randint(k1, (16384,), 0, NUM_A, dtype=jnp.int32)
    b_indices = jax.random.randint(k2, (128,), 0, NUM_B, dtype=jnp.int64) if jax.config.jax_enable_x64 else jax.random.randint(k2, (128,), 0, NUM_B, dtype=jnp.int32)
    # Parameter initialized to zeros in the torch module; use small random values so
    # the computation is non-degenerate while staying faithful to the math.
    coefficients = jax.random.normal(k3, (NUM_A, NUM_B), dtype=jnp.float32) * 0.01
    return {"a_indices": a_indices, "b_indices": b_indices, "coefficients": coefficients}

def reference(a_indices, b_indices, coefficients):
    # coefficients[a_indices][:, b_indices].sum()
    rows = jnp.take(coefficients, a_indices, axis=0)        # gather rows: [B_a, NUM_B]
    sub = jnp.take(rows, b_indices, axis=1)                 # gather cols: [B_a, B_b]
    return jnp.sum(sub)

if __name__ == "__main__":
    import jax
    _d = setup_inputs()
    print(jax.jit(kernel)(*tuple(_d.values())))

</pallas_src>

<mosaic_0001>
#map = affine_map<(d0, d1) -> (0)>
#map1 = affine_map<(d0, d1) -> (0, 0)>
module attributes {stable_mosaic.version = 14 : i64} {
  func.func @_sum_kernel(%arg0: i32, %arg1: i32, %arg2: memref<16384xi32, #tpu.memory_space<hbm>>, %arg3: memref<128xi32, #tpu.memory_space<hbm>>, %arg4: memref<100000x128xf32, #tpu.memory_space<hbm>>, %arg5: memref<2x16xf32, #tpu.memory_space<hbm>>, %arg6: memref<512xi32, #tpu.memory_space<vmem>>, %arg7: memref<512x128xf32, #tpu.memory_space<vmem>>, %arg8: memref<16x128xf32, #tpu.memory_space<vmem>>, %arg9: memref<128xi32, #tpu.memory_space<vmem>>, %arg10: memref<128xf32, #tpu.memory_space<vmem>>, %arg11: memref<16xf32, #tpu.memory_space<vmem>>, %arg12: memref<16x128xf32, #tpu.memory_space<vmem_shared>>, %arg13: memref<!tpu.dma_semaphore, #tpu.memory_space<semaphore_mem>>, %arg14: memref<!tpu.dma_semaphore, #tpu.memory_space<semaphore_mem>>, %arg15: memref<!tpu.dma_semaphore, #tpu.memory_space<semaphore_mem>>) attributes {dimension_semantics = [#tpu.dimension_semantics<core_parallel>, #tpu.dimension_semantics<subcore_parallel>], iteration_bounds = array<i64: 2, 16>, scalar_prefetch = 0 : i64, scratch_operands = 10 : i64, tpu.core_type = #tpu.core_type<sc_vector_subcore>, window_params = [{transform_indices = #map}, {transform_indices = #map}, {transform_indices = #map1}, {transform_indices = #map1}]} {
    %mul3A = arith.constant 16 : i32
    %mul3A_0 = arith.muli %arg0, %mul3A : i32
    %add3A = arith.addi %mul3A_0, %arg1 : i32
    %mul3A_1 = arith.constant 512 : i32
    %mul3A_2 = arith.muli %add3A, %mul3A_1 : i32
    %eq3A = arith.constant 0 : i32
    %eq3A_3 = arith.cmpi eq, %arg1, %eq3A : i32
    %convert_element_type3A = arith.extui %eq3A_3 : i1 to i32
    %cond3A = arith.constant 0 : i32
    %cond3A_4 = arith.cmpi ne, %convert_element_type3A, %cond3A : i32
    scf.if %cond3A_4 {
      tpu.enqueue_dma source(%arg3 : memref<128xi32, #tpu.memory_space<hbm>>) target(%arg9 : memref<128xi32, #tpu.memory_space<vmem>>) target_semaphore(%arg15 : memref<!tpu.dma_semaphore, #tpu.memory_space<semaphore_mem>>)
    } else {
    }
    %add3A_5 = arith.constant 0 : i32
    %add3A_6 = arith.addi %mul3A_2, %add3A_5 : i32
    %dma_start3A = arith.constant 0 : i32
    %dma_start3A_7 = tpu.memref_slice %arg6[%dma_start3A] : memref<512xi32, #tpu.memory_space<vmem>> -> memref<32xi32, #tpu.memory_space<vmem>>
    %dma_start3A_8 = tpu.memref_slice %arg2[%add3A_6] : memref<16384xi32, #tpu.memory_space<hbm>> -> memref<32xi32, #tpu.memory_space<hbm>>
    %dma_start3A_9 = arith.constant 0 : i32
    %dma_start3A_10 = tpu.memref_slice %arg6[%dma_start3A_9] : memref<512xi32, #tpu.memory_space<vmem>> -> memref<32xi32, #tpu.memory_space<vmem>>
    %dma_start3A_11 = tpu.memref_slice %arg2[%add3A_6] : memref<16384xi32, #tpu.memory_space<hbm>> -> memref<32xi32, #tpu.memory_space<hbm>>
    tpu.enqueue_dma source(%dma_start3A_11 : memref<32xi32, #tpu.memory_space<hbm>>) target(%dma_start3A_10 : memref<32xi32, #tpu.memory_space<vmem>>) target_semaphore(%arg13 : memref<!tpu.dma_semaphore, #tpu.memory_space<semaphore_mem>>)
    %add3A_12 = arith.constant 32 : i32
    %add3A_13 = arith.addi %mul3A_2, %add3A_12 : i32
    %dma_start3A_14 = arith.constant 32 : i32
    %dma_start3A_15 = tpu.memref_slice %arg6[%dma_start3A_14] : memref<512xi32, #tpu.memory_space<vmem>> -> memref<96xi32, #tpu.memory_space<vmem>>
    %dma_start3A_16 = tpu.memref_slice %arg2[%add3A_13] : memref<16384xi32, #tpu.memory_space<hbm>> -> memref<96xi32, #tpu.memory_space<hbm>>
    %dma_start3A_17 = arith.constant 32 : i32
    %dma_start3A_18 = tpu.memref_slice %arg6[%dma_start3A_17] : memref<512xi32, #tpu.memory_space<vmem>> -> memref<96xi32, #tpu.memory_space<vmem>>
    %dma_start3A_19 = tpu.memref_slice %arg2[%add3A_13] : memref<16384xi32, #tpu.memory_space<hbm>> -> memref<96xi32, #tpu.memory_space<hbm>>
    tpu.enqueue_dma source(%dma_start3A_19 : memref<96xi32, #tpu.memory_space<hbm>>) target(%dma_start3A_18 : memref<96xi32, #tpu.memory_space<vmem>>) target_semaphore(%arg13 : memref<!tpu.dma_semaphore, #tpu.memory_space<semaphore_mem>>)
    %add3A_20 = arith.constant 128 : i32
    %add3A_21 = arith.addi %mul3A_2, %add3A_20 : i32
    %dma_start3A_22 = arith.constant 128 : i32
    %dma_start3A_23 = tpu.memref_slice %arg6[%dma_start3A_22] : memref<512xi32, #tpu.memory_space<vmem>> -> memref<128xi32, #tpu.memory_space<vmem>>
    %dma_start3A_24 = tpu.memref_slice %arg2[%add3A_21] : memref<16384xi32, #tpu.memory_space<hbm>> -> memref<128xi32, #tpu.memory_space<hbm>>
    %dma_start3A_25 = arith.constant 128 : i32
    %dma_start3A_26 = tpu.memref_slice %arg6[%dma_start3A_25] : memref<512xi32, #tpu.memory_space<vmem>> -> memref<128xi32, #tpu.memory_space<vmem>>
    %dma_start3A_27 = tpu.memref_slice %arg2[%add3A_21] : memref<16384xi32, #tpu.memory_space<hbm>> -> memref<128xi32, #tpu.memory_space<hbm>>
    tpu.enqueue_dma source(%dma_start3A_27 : memref<128xi32, #tpu.memory_space<hbm>>) target(%dma_start3A_26 : memref<128xi32, #tpu.memory_space<vmem>>) target_semaphore(%arg13 : memref<!tpu.dma_semaphore, #tpu.memory_space<semaphore_mem>>)
    %add3A_28 = arith.constant 256 : i32
    %add3A_29 = arith.addi %mul3A_2, %add3A_28 : i32
    %dma_start3A_30 = arith.constant 256 : i32
    %dma_start3A_31 = tpu.memref_slice %arg6[%dma_start3A_30] : memref<512xi32, #tpu.memory_space<vmem>> -> memref<128xi32, #tpu.memory_space<vmem>>
    %dma_start3A_32 = tpu.memref_slice %arg2[%add3A_29] : memref<16384xi32, #tpu.memory_space<hbm>> -> memref<128xi32, #tpu.memory_space<hbm>>
    %dma_start3A_33 = arith.constant 256 : i32
    %dma_start3A_34 = tpu.memref_slice %arg6[%dma_start3A_33] : memref<512xi32, #tpu.memory_space<vmem>> -> memref<128xi32, #tpu.memory_space<vmem>>
    %dma_start3A_35 = tpu.memref_slice %arg2[%add3A_29] : memref<16384xi32, #tpu.memory_space<hbm>> -> memref<128xi32, #tpu.memory_space<hbm>>
    tpu.enqueue_dma source(%dma_start3A_35 : memref<128xi32, #tpu.memory_space<hbm>>) target(%dma_start3A_34 : memref<128xi32, #tpu.memory_space<vmem>>) target_semaphore(%arg13 : memref<!tpu.dma_semaphore, #tpu.memory_space<semaphore_mem>>)
    %add3A_36 = arith.constant 384 : i32
    %add3A_37 = arith.addi %mul3A_2, %add3A_36 : i32
    %dma_start3A_38 = arith.constant 384 : i32
    %dma_start3A_39 = tpu.memref_slice %arg6[%dma_start3A_38] : memref<512xi32, #tpu.memory_space<vmem>> -> memref<128xi32, #tpu.memory_space<vmem>>
    %dma_start3A_40 = tpu.memref_slice %arg2[%add3A_37] : memref<16384xi32, #tpu.memory_space<hbm>> -> memref<128xi32, #tpu.memory_space<hbm>>
    %dma_start3A_41 = arith.constant 384 : i32
    %dma_start3A_42 = tpu.memref_slice %arg6[%dma_start3A_41] : memref<512xi32, #tpu.memory_space<vmem>> -> memref<128xi32, #tpu.memory_space<vmem>>
    %dma_start3A_43 = tpu.memref_slice %arg2[%add3A_37] : memref<16384xi32, #tpu.memory_space<hbm>> -> memref<128xi32, #tpu.memory_space<hbm>>
    tpu.enqueue_dma source(%dma_start3A_43 : memref<128xi32, #tpu.memory_space<hbm>>) target(%dma_start3A_42 : memref<128xi32, #tpu.memory_space<vmem>>) target_semaphore(%arg13 : memref<!tpu.dma_semaphore, #tpu.memory_space<semaphore_mem>>)
    %dma_wait3A = arith.constant 0 : i32
    %dma_wait3A_44 = tpu.memref_slice %arg6[%dma_wait3A] : memref<512xi32, #tpu.memory_space<vmem>> -> memref<32xi32, #tpu.memory_space<vmem>>
    %dma_wait3A_45 = tpu.memref_slice %arg2[%add3A_6] : memref<16384xi32, #tpu.memory_space<hbm>> -> memref<32xi32, #tpu.memory_space<hbm>>
    %dma_wait3A_46 = arith.constant 0 : i32
    %dma_wait3A_47 = tpu.memref_slice %arg6[%dma_wait3A_46] : memref<512xi32, #tpu.memory_space<vmem>> -> memref<32xi32, #tpu.memory_space<vmem>>
    %dma_wait3A_48 = tpu.memref_slice %arg2[%add3A_6] : memref<16384xi32, #tpu.memory_space<hbm>> -> memref<32xi32, #tpu.memory_space<hbm>>
    tpu.wait_dma2 semaphore(%arg13 : memref<!tpu.dma_semaphore, #tpu.memory_space<semaphore_mem>>) src(%dma_wait3A_48 : memref<32xi32, #tpu.memory_space<hbm>>) dst(%dma_wait3A_47 : memref<32xi32, #tpu.memory_space<vmem>>)
    %dma_start3A_49 = arith.constant 0 : i32
    %dma_start3A_50 = arith.constant 0 : i32
    %dma_start3A_51 = tpu.memref_slice %arg7[%dma_start3A_49, %dma_start3A_50] : memref<512x128xf32, #tpu.memory_space<vmem>> -> memref<32x128xf32, #tpu.memory_space<vmem>>
    %dma_start3A_52 = arith.constant 0 : i32
    %dma_start3A_53 = tpu.memref_slice %arg6[%dma_start3A_52] : memref<512xi32, #tpu.memory_space<vmem>> -> memref<32xi32, #tpu.memory_space<vmem>>
    %dma_start3A_54 = arith.constant 0 : i32
    %dma_start3A_55 = arith.constant 0 : i32
    %dma_start3A_56 = tpu.memref_slice %arg4[%dma_start3A_54, %dma_start3A_55] : memref<100000x128xf32, #tpu.memory_space<hbm>> -> memref<100000x128xf32, #tpu.memory_space<hbm>>
    tpu.enqueue_indirect_dma source(%dma_start3A_56 : memref<100000x128xf32, #tpu.memory_space<hbm>>) target(%dma_start3A_51 : memref<32x128xf32, #tpu.memory_space<vmem>>) offsets(%dma_start3A_53 : memref<32xi32, #tpu.memory_space<vmem>>) semaphore(%arg14 : memref<!tpu.dma_semaphore, #tpu.memory_space<semaphore_mem>>)
    %dma_wait3A_57 = arith.constant 32 : i32
    %dma_wait3A_58 = tpu.memref_slice %arg6[%dma_wait3A_57] : memref<512xi32, #tpu.memory_space<vmem>> -> memref<96xi32, #tpu.memory_space<vmem>>
    %dma_wait3A_59 = tpu.memref_slice %arg2[%add3A_13] : memref<16384xi32, #tpu.memory_space<hbm>> -> memref<96xi32, #tpu.memory_space<hbm>>
    %dma_wait3A_60 = arith.constant 32 : i32
    %dma_wait3A_61 = tpu.memref_slice %arg6[%dma_wait3A_60] : memref<512xi32, #tpu.memory_space<vmem>> -> memref<96xi32, #tpu.memory_space<vmem>>
    %dma_wait3A_62 = tpu.memref_slice %arg2[%add3A_13] : memref<16384xi32, #tpu.memory_space<hbm>> -> memref<96xi32, #tpu.memory_space<hbm>>
    tpu.wait_dma2 semaphore(%arg13 : memref<!tpu.dma_semaphore, #tpu.memory_space<semaphore_mem>>) src(%dma_wait3A_62 : memref<96xi32, #tpu.memory_space<hbm>>) dst(%dma_wait3A_61 : memref<96xi32, #tpu.memory_space<vmem>>)
    %dma_start3A_63 = arith.constant 32 : i32
    %dma_start3A_64 = arith.constant 0 : i32
    %dma_start3A_65 = tpu.memref_slice %arg7[%dma_start3A_63, %dma_start3A_64] : memref<512x128xf32, #tpu.memory_space<vmem>> -> memref<96x128xf32, #tpu.memory_space<vmem>>
    %dma_start3A_66 = arith.constant 32 : i32
    %dma_start3A_67 = tpu.memref_slice %arg6[%dma_start3A_66] : memref<512xi32, #tpu.memory_space<vmem>> -> memref<96xi32, #tpu.memory_space<vmem>>
    %dma_start3A_68 = arith.constant 0 : i32
    %dma_start3A_69 = arith.constant 0 : i32
    %dma_start3A_70 = tpu.memref_slice %arg4[%dma_start3A_68, %dma_start3A_69] : memref<100000x128xf32, #tpu.memory_space<hbm>> -> memref<100000x128xf32, #tpu.memory_space<hbm>>
    tpu.enqueue_indirect_dma source(%dma_start3A_70 : memref<100000x128xf32, #tpu.memory_space<hbm>>) target(%dma_start3A_65 : memref<96x128xf32, #tpu.memory_space<vmem>>) offsets(%dma_start3A_67 : memref<96xi32, #tpu.memory_space<vmem>>) semaphore(%arg14 : memref<!tpu.dma_semaphore, #tpu.memory_space<semaphore_mem>>)
    %dma_wait3A_71 = arith.constant 128 : i32
    %dma_wait3A_72 = tpu.memref_slice %arg6[%dma_wait3A_71] : memref<512xi32, #tpu.memory_space<vmem>> -> memref<128xi32, #tpu.memory_space<vmem>>
    %dma_wait3A_73 = tpu.memref_slice %arg2[%add3A_21] : memref<16384xi32, #tpu.memory_space<hbm>> -> memref<128xi32, #tpu.memory_space<hbm>>
    %dma_wait3A_74 = arith.constant 128 : i32
    %dma_wait3A_75 = tpu.memref_slice %arg6[%dma_wait3A_74] : memref<512xi32, #tpu.memory_space<vmem>> -> memref<128xi32, #tpu.memory_space<vmem>>
    %dma_wait3A_76 = tpu.memref_slice %arg2[%add3A_21] : memref<16384xi32, #tpu.memory_space<hbm>> -> memref<128xi32, #tpu.memory_space<hbm>>
    tpu.wait_dma2 semaphore(%arg13 : memref<!tpu.dma_semaphore, #tpu.memory_space<semaphore_mem>>) src(%dma_wait3A_76 : memref<128xi32, #tpu.memory_space<hbm>>) dst(%dma_wait3A_75 : memref<128xi32, #tpu.memory_space<vmem>>)
    %dma_start3A_77 = arith.constant 128 : i32
    %dma_start3A_78 = arith.constant 0 : i32
    %dma_start3A_79 = tpu.memref_slice %arg7[%dma_start3A_77, %dma_start3A_78] : memref<512x128xf32, #tpu.memory_space<vmem>> -> memref<128x128xf32, #tpu.memory_space<vmem>>
    %dma_start3A_80 = arith.constant 128 : i32
    %dma_start3A_81 = tpu.memref_slice %arg6[%dma_start3A_80] : memref<512xi32, #tpu.memory_space<vmem>> -> memref<128xi32, #tpu.memory_space<vmem>>
    %dma_start3A_82 = arith.constant 0 : i32
    %dma_start3A_83 = arith.constant 0 : i32
    %dma_start3A_84 = tpu.memref_slice %arg4[%dma_start3A_82, %dma_start3A_83] : memref<100000x128xf32, #tpu.memory_space<hbm>> -> memref<100000x128xf32, #tpu.memory_space<hbm>>
    tpu.enqueue_indirect_dma source(%dma_start3A_84 : memref<100000x128xf32, #tpu.memory_space<hbm>>) target(%dma_start3A_79 : memref<128x128xf32, #tpu.memory_space<vmem>>) offsets(%dma_start3A_81 : memref<128xi32, #tpu.memory_space<vmem>>) semaphore(%arg14 : memref<!tpu.dma_semaphore, #tpu.memory_space<semaphore_mem>>)
    %dma_wait3A_85 = arith.constant 256 : i32
    %dma_wait3A_86 = tpu.memref_slice %arg6[%dma_wait3A_85] : memref<512xi32, #tpu.memory_space<vmem>> -> memref<128xi32, #tpu.memory_space<vmem>>
    %dma_wait3A_87 = tpu.memref_slice %arg2[%add3A_29] : memref<16384xi32, #tpu.memory_space<hbm>> -> memref<128xi32, #tpu.memory_space<hbm>>
    %dma_wait3A_88 = arith.constant 256 : i32
    %dma_wait3A_89 = tpu.memref_slice %arg6[%dma_wait3A_88] : memref<512xi32, #tpu.memory_space<vmem>> -> memref<128xi32, #tpu.memory_space<vmem>>
    %dma_wait3A_90 = tpu.memref_slice %arg2[%add3A_29] : memref<16384xi32, #tpu.memory_space<hbm>> -> memref<128xi32, #tpu.memory_space<hbm>>
    tpu.wait_dma2 semaphore(%arg13 : memref<!tpu.dma_semaphore, #tpu.memory_space<semaphore_mem>>) src(%dma_wait3A_90 : memref<128xi32, #tpu.memory_space<hbm>>) dst(%dma_wait3A_89 : memref<128xi32, #tpu.memory_space<vmem>>)
    %dma_start3A_91 = arith.constant 256 : i32
    %dma_start3A_92 = arith.constant 0 : i32
    %dma_start3A_93 = tpu.memref_slice %arg7[%dma_start3A_91, %dma_start3A_92] : memref<512x128xf32, #tpu.memory_space<vmem>> -> memref<128x128xf32, #tpu.memory_space<vmem>>
    %dma_start3A_94 = arith.constant 256 : i32
    %dma_start3A_95 = tpu.memref_slice %arg6[%dma_start3A_94] : memref<512xi32, #tpu.memory_space<vmem>> -> memref<128xi32, #tpu.memory_space<vmem>>
    %dma_start3A_96 = arith.constant 0 : i32
    %dma_start3A_97 = arith.constant 0 : i32
    %dma_start3A_98 = tpu.memref_slice %arg4[%dma_start3A_96, %dma_start3A_97] : memref<100000x128xf32, #tpu.memory_space<hbm>> -> memref<100000x128xf32, #tpu.memory_space<hbm>>
    tpu.enqueue_indirect_dma source(%dma_start3A_98 : memref<100000x128xf32, #tpu.memory_space<hbm>>) target(%dma_start3A_93 : memref<128x128xf32, #tpu.memory_space<vmem>>) offsets(%dma_start3A_95 : memref<128xi32, #tpu.memory_space<vmem>>) semaphore(%arg14 : memref<!tpu.dma_semaphore, #tpu.memory_space<semaphore_mem>>)
    %dma_wait3A_99 = arith.constant 384 : i32
    %dma_wait3A_100 = tpu.memref_slice %arg6[%dma_wait3A_99] : memref<512xi32, #tpu.memory_space<vmem>> -> memref<128xi32, #tpu.memory_space<vmem>>
    %dma_wait3A_101 = tpu.memref_slice %arg2[%add3A_37] : memref<16384xi32, #tpu.memory_space<hbm>> -> memref<128xi32, #tpu.memory_space<hbm>>
    %dma_wait3A_102 = arith.constant 384 : i32
    %dma_wait3A_103 = tpu.memref_slice %arg6[%dma_wait3A_102] : memref<512xi32, #tpu.memory_space<vmem>> -> memref<128xi32, #tpu.memory_space<vmem>>
    %dma_wait3A_104 = tpu.memref_slice %arg2[%add3A_37] : memref<16384xi32, #tpu.memory_space<hbm>> -> memref<128xi32, #tpu.memory_space<hbm>>
    tpu.wait_dma2 semaphore(%arg13 : memref<!tpu.dma_semaphore, #tpu.memory_space<semaphore_mem>>) src(%dma_wait3A_104 : memref<128xi32, #tpu.memory_space<hbm>>) dst(%dma_wait3A_103 : memref<128xi32, #tpu.memory_space<vmem>>)
    %dma_start3A_105 = arith.constant 384 : i32
    %dma_start3A_106 = arith.constant 0 : i32
    %dma_start3A_107 = tpu.memref_slice %arg7[%dma_start3A_105, %dma_start3A_106] : memref<512x128xf32, #tpu.memory_space<vmem>> -> memref<128x128xf32, #tpu.memory_space<vmem>>
    %dma_start3A_108 = arith.constant 384 : i32
    %dma_start3A_109 = tpu.memref_slice %arg6[%dma_start3A_108] : memref<512xi32, #tpu.memory_space<vmem>> -> memref<128xi32, #tpu.memory_space<vmem>>
    %dma_start3A_110 = arith.constant 0 : i32
    %dma_start3A_111 = arith.constant 0 : i32
    %dma_start3A_112 = tpu.memref_slice %arg4[%dma_start3A_110, %dma_start3A_111] : memref<100000x128xf32, #tpu.memory_space<hbm>> -> memref<100000x128xf32, #tpu.memory_space<hbm>>
    tpu.enqueue_indirect_dma source(%dma_start3A_112 : memref<100000x128xf32, #tpu.memory_space<hbm>>) target(%dma_start3A_107 : memref<128x128xf32, #tpu.memory_space<vmem>>) offsets(%dma_start3A_109 : memref<128xi32, #tpu.memory_space<vmem>>) semaphore(%arg14 : memref<!tpu.dma_semaphore, #tpu.memory_space<semaphore_mem>>)
    %broadcast_in_dim3A = arith.constant 0.000000e+00 : f32
    %broadcast_in_dim3A_113 = vector.broadcast %broadcast_in_dim3A : f32 to vector<16xf32>
    %broadcast_in_dim3A_114 = arith.constant 0.000000e+00 : f32
    %broadcast_in_dim3A_115 = vector.broadcast %broadcast_in_dim3A_114 : f32 to vector<16xf32>
    %broadcast_in_dim3A_116 = arith.constant 0.000000e+00 : f32
    %broadcast_in_dim3A_117 = vector.broadcast %broadcast_in_dim3A_116 : f32 to vector<16xf32>
    %broadcast_in_dim3A_118 = arith.constant 0.000000e+00 : f32
    %broadcast_in_dim3A_119 = vector.broadcast %broadcast_in_dim3A_118 : f32 to vector<16xf32>
    %broadcast_in_dim3A_120 = arith.constant 0.000000e+00 : f32
    %broadcast_in_dim3A_121 = vector.broadcast %broadcast_in_dim3A_120 : f32 to vector<16xf32>
    %broadcast_in_dim3A_122 = arith.constant 0.000000e+00 : f32
    %broadcast_in_dim3A_123 = vector.broadcast %broadcast_in_dim3A_122 : f32 to vector<16xf32>
    %broadcast_in_dim3A_124 = arith.constant 0.000000e+00 : f32
    %broadcast_in_dim3A_125 = vector.broadcast %broadcast_in_dim3A_124 : f32 to vector<16xf32>
    %broadcast_in_dim3A_126 = arith.constant 0.000000e+00 : f32
    %broadcast_in_dim3A_127 = vector.broadcast %broadcast_in_dim3A_126 : f32 to vector<16xf32>
    %dma_wait3A_128 = arith.constant 0 : i32
    %dma_wait3A_129 = arith.constant 0 : i32
    %dma_wait3A_130 = tpu.memref_slice %arg7[%dma_wait3A_128, %dma_wait3A_129] : memref<512x128xf32, #tpu.memory_space<vmem>> -> memref<32x128xf32, #tpu.memory_space<vmem>>
    %dma_wait3A_131 = arith.constant 0 : i32
    %dma_wait3A_132 = tpu.memref_slice %arg6[%dma_wait3A_131] : memref<512xi32, #tpu.memory_space<vmem>> -> memref<32xi32, #tpu.memory_space<vmem>>
    %dma_wait3A_133 = arith.constant 0 : i32
    %dma_wait3A_134 = arith.constant 0 : i32
    %dma_wait3A_135 = tpu.memref_slice %arg4[%dma_wait3A_133, %dma_wait3A_134] : memref<100000x128xf32, #tpu.memory_space<hbm>> -> memref<100000x128xf32, #tpu.memory_space<hbm>>
    tpu.wait_indirect_dma semaphore(%arg14 : memref<!tpu.dma_semaphore, #tpu.memory_space<semaphore_mem>>) src(%dma_wait3A_135 : memref<100000x128xf32, #tpu.memory_space<hbm>>) dst(%dma_wait3A_130 : memref<32x128xf32, #tpu.memory_space<vmem>>)
    %scan3A = arith.constant 0 : i32
    %scan3A_136 = arith.constant 8 : i32
    %scan3A_137 = arith.addi %scan3A, %scan3A_136 : i32
    %scan3A_138 = arith.constant 1 : i32
    %scan3A_139:8 = scf.for %scan3A_217 = %scan3A to %scan3A_137 step %scan3A_138 iter_args(%scan3A_218 = %broadcast_in_dim3A_113, %scan3A_219 = %broadcast_in_dim3A_115, %scan3A_220 = %broadcast_in_dim3A_117, %scan3A_221 = %broadcast_in_dim3A_119, %scan3A_222 = %broadcast_in_dim3A_121, %scan3A_223 = %broadcast_in_dim3A_123, %scan3A_224 = %broadcast_in_dim3A_125, %scan3A_225 = %broadcast_in_dim3A_127) -> (vector<16xf32>, vector<16xf32>, vector<16xf32>, vector<16xf32>, vector<16xf32>, vector<16xf32>, vector<16xf32>, vector<16xf32>)  : i32 {
      %mul3A_226 = arith.constant 4 : i32
      %mul3A_227 = arith.muli %scan3A_217, %mul3A_226 : i32
      %add3A_228 = arith.constant 0 : i32
      %add3A_229 = arith.addi %add3A_228, %mul3A_227 : i32
      %add3A_230 = arith.constant 0 : i32
      %add3A_231 = arith.addi %add3A_229, %add3A_230 : i32
      %get3A = arith.index_cast %add3A_231 : i32 to index
      %get3A_232 = arith.constant 0 : index
      %get3A_233 = tpu.vector_load %arg7[%get3A, %get3A_232] {strides = array<i32>} : memref<512x128xf32, #tpu.memory_space<vmem>>, vector<16xf32>,
      %add3A_234 = arith.addf %scan3A_218, %get3A_233 : vector<16xf32>
      %get3A_235 = arith.index_cast %add3A_231 : i32 to index
      %get3A_236 = arith.constant 16 : index
      %get3A_237 = tpu.vector_load %arg7[%get3A_235, %get3A_236] {strides = array<i32>} : memref<512x128xf32, #tpu.memory_space<vmem>>, vector<16xf32>,
      %add3A_238 = arith.addf %scan3A_219, %get3A_237 : vector<16xf32>
      %get3A_239 = arith.index_cast %add3A_231 : i32 to index
      %get3A_240 = arith.constant 32 : index
      %get3A_241 = tpu.vector_load %arg7[%get3A_239, %get3A_240] {strides = array<i32>} : memref<512x128xf32, #tpu.memory_space<vmem>>, vector<16xf32>,
      %add3A_242 = arith.addf %scan3A_220, %get3A_241 : vector<16xf32>
      %get3A_243 = arith.index_cast %add3A_231 : i32 to index
      %get3A_244 = arith.constant 48 : index
      %get3A_245 = tpu.vector_load %arg7[%get3A_243, %get3A_244] {strides = array<i32>} : memref<512x128xf32, #tpu.memory_space<vmem>>, vector<16xf32>,
      %add3A_246 = arith.addf %scan3A_221, %get3A_245 : vector<16xf32>
      %get3A_247 = arith.index_cast %add3A_231 : i32 to index
      %get3A_248 = arith.constant 64 : index
      %get3A_249 = tpu.vector_load %arg7[%get3A_247, %get3A_248] {strides = array<i32>} : memref<512x128xf32, #tpu.memory_space<vmem>>, vector<16xf32>,
      %add3A_250 = arith.addf %scan3A_222, %get3A_249 : vector<16xf32>
      %get3A_251 = arith.index_cast %add3A_231 : i32 to index
      %get3A_252 = arith.constant 80 : index
      %get3A_253 = tpu.vector_load %arg7[%get3A_251, %get3A_252] {strides = array<i32>} : memref<512x128xf32, #tpu.memory_space<vmem>>, vector<16xf32>,
      %add3A_254 = arith.addf %scan3A_223, %get3A_253 : vector<16xf32>
      %get3A_255 = arith.index_cast %add3A_231 : i32 to index
      %get3A_256 = arith.constant 96 : index
      %get3A_257 = tpu.vector_load %arg7[%get3A_255, %get3A_256] {strides = array<i32>} : memref<512x128xf32, #tpu.memory_space<vmem>>, vector<16xf32>,
      %add3A_258 = arith.addf %scan3A_224, %get3A_257 : vector<16xf32>
      %get3A_259 = arith.index_cast %add3A_231 : i32 to index
      %get3A_260 = arith.constant 112 : index
      %get3A_261 = tpu.vector_load %arg7[%get3A_259, %get3A_260] {strides = array<i32>} : memref<512x128xf32, #tpu.memory_space<vmem>>, vector<16xf32>,
      %add3A_262 = arith.addf %scan3A_225, %get3A_261 : vector<16xf32>
      %mul3A_263 = arith.constant 4 : i32
      %mul3A_264 = arith.muli %scan3A_217, %mul3A_263 : i32
      %add3A_265 = arith.constant 0 : i32
      %add3A_266 = arith.addi %add3A_265, %mul3A_264 : i32
      %add3A_267 = arith.constant 1 : i32
      %add3A_268 = arith.addi %add3A_266, %add3A_267 : i32
      %get3A_269 = arith.index_cast %add3A_268 : i32 to index
      %get3A_270 = arith.constant 0 : index
      %get3A_271 = tpu.vector_load %arg7[%get3A_269, %get3A_270] {strides = array<i32>} : memref<512x128xf32, #tpu.memory_space<vmem>>, vector<16xf32>,
      %add3A_272 = arith.addf %add3A_234, %get3A_271 : vector<16xf32>
      %get3A_273 = arith.index_cast %add3A_268 : i32 to index
      %get3A_274 = arith.constant 16 : index
      %get3A_275 = tpu.vector_load %arg7[%get3A_273, %get3A_274] {strides = array<i32>} : memref<512x128xf32, #tpu.memory_space<vmem>>, vector<16xf32>,
      %add3A_276 = arith.addf %add3A_238, %get3A_275 : vector<16xf32>
      %get3A_277 = arith.index_cast %add3A_268 : i32 to index
      %get3A_278 = arith.constant 32 : index
      %get3A_279 = tpu.vector_load %arg7[%get3A_277, %get3A_278] {strides = array<i32>} : memref<512x128xf32, #tpu.memory_space<vmem>>, vector<16xf32>,
      %add3A_280 = arith.addf %add3A_242, %get3A_279 : vector<16xf32>
      %get3A_281 = arith.index_cast %add3A_268 : i32 to index
      %get3A_282 = arith.constant 48 : index
      %get3A_283 = tpu.vector_load %arg7[%get3A_281, %get3A_282] {strides = array<i32>} : memref<512x128xf32, #tpu.memory_space<vmem>>, vector<16xf32>,
      %add3A_284 = arith.addf %add3A_246, %get3A_283 : vector<16xf32>
      %get3A_285 = arith.index_cast %add3A_268 : i32 to index
      %get3A_286 = arith.constant 64 : index
      %get3A_287 = tpu.vector_load %arg7[%get3A_285, %get3A_286] {strides = array<i32>} : memref<512x128xf32, #tpu.memory_space<vmem>>, vector<16xf32>,
      %add3A_288 = arith.addf %add3A_250, %get3A_287 : vector<16xf32>
      %get3A_289 = arith.index_cast %add3A_268 : i32 to index
      %get3A_290 = arith.constant 80 : index
      %get3A_291 = tpu.vector_load %arg7[%get3A_289, %get3A_290] {strides = array<i32>} : memref<512x128xf32, #tpu.memory_space<vmem>>, vector<16xf32>,
      %add3A_292 = arith.addf %add3A_254, %get3A_291 : vector<16xf32>
      %get3A_293 = arith.index_cast %add3A_268 : i32 to index
      %get3A_294 = arith.constant 96 : index
      %get3A_295 = tpu.vector_load %arg7[%get3A_293, %get3A_294] {strides = array<i32>} : memref<512x128xf32, #tpu.memory_space<vmem>>, vector<16xf32>,
      %add3A_296 = arith.addf %add3A_258, %get3A_295 : vector<16xf32>
      %get3A_297 = arith.index_cast %add3A_268 : i32 to index
      %get3A_298 = arith.constant 112 : index
      %get3A_299 = tpu.vector_load %arg7[%get3A_297, %get3A_298] {strides = array<i32>} : memref<512x128xf32, #tpu.memory_space<vmem>>, vector<16xf32>,
      %add3A_300 = arith.addf %add3A_262, %get3A_299 : vector<16xf32>
      %mul3A_301 = arith.constant 4 : i32
      %mul3A_302 = arith.muli %scan3A_217, %mul3A_301 : i32
      %add3A_303 = arith.constant 0 : i32
      %add3A_304 = arith.addi %add3A_303, %mul3A_302 : i32
      %add3A_305 = arith.constant 2 : i32
      %add3A_306 = arith.addi %add3A_304, %add3A_305 : i32
      %get3A_307 = arith.index_cast %add3A_306 : i32 to index
      %get3A_308 = arith.constant 0 : index
      %get3A_309 = tpu.vector_load %arg7[%get3A_307, %get3A_308] {strides = array<i32>} : memref<512x128xf32, #tpu.memory_space<vmem>>, vector<16xf32>,
      %add3A_310 = arith.addf %add3A_272, %get3A_309 : vector<16xf32>
      %get3A_311 = arith.index_cast %add3A_306 : i32 to index
      %get3A_312 = arith.constant 16 : index
      %get3A_313 = tpu.vector_load %arg7[%get3A_311, %get3A_312] {strides = array<i32>} : memref<512x128xf32, #tpu.memory_space<vmem>>, vector<16xf32>,
      %add3A_314 = arith.addf %add3A_276, %get3A_313 : vector<16xf32>
      %get3A_315 = arith.index_cast %add3A_306 : i32 to index
      %get3A_316 = arith.constant 32 : index
      %get3A_317 = tpu.vector_load %arg7[%get3A_315, %get3A_316] {strides = array<i32>} : memref<512x128xf32, #tpu.memory_space<vmem>>, vector<16xf32>,
      %add3A_318 = arith.addf %add3A_280, %get3A_317 : vector<16xf32>
      %get3A_319 = arith.index_cast %add3A_306 : i32 to index
      %get3A_320 = arith.constant 48 : index
      %get3A_321 = tpu.vector_load %arg7[%get3A_319, %get3A_320] {strides = array<i32>} : memref<512x128xf32, #tpu.memory_space<vmem>>, vector<16xf32>,
      %add3A_322 = arith.addf %add3A_284, %get3A_321 : vector<16xf32>
      %get3A_323 = arith.index_cast %add3A_306 : i32 to index
      %get3A_324 = arith.constant 64 : index
      %get3A_325 = tpu.vector_load %arg7[%get3A_323, %get3A_324] {strides = array<i32>} : memref<512x128xf32, #tpu.memory_space<vmem>>, vector<16xf32>,
      %add3A_326 = arith.addf %add3A_288, %get3A_325 : vector<16xf32>
      %get3A_327 = arith.index_cast %add3A_306 : i32 to index
      %get3A_328 = arith.constant 80 : index
      %get3A_329 = tpu.vector_load %arg7[%get3A_327, %get3A_328] {strides = array<i32>} : memref<512x128xf32, #tpu.memory_space<vmem>>, vector<16xf32>,
      %add3A_330 = arith.addf %add3A_292, %get3A_329 : vector<16xf32>
      %get3A_331 = arith.index_cast %add3A_306 : i32 to index
      %get3A_332 = arith.constant 96 : index
      %get3A_333 = tpu.vector_load %arg7[%get3A_331, %get3A_332] {strides = array<i32>} : memref<512x128xf32, #tpu.memory_space<vmem>>, vector<16xf32>,
      %add3A_334 = arith.addf %add3A_296, %get3A_333 : vector<16xf32>
      %get3A_335 = arith.index_cast %add3A_306 : i32 to index
      %get3A_336 = arith.constant 112 : index
      %get3A_337 = tpu.vector_load %arg7[%get3A_335, %get3A_336] {strides = array<i32>} : memref<512x128xf32, #tpu.memory_space<vmem>>, vector<16xf32>,
      %add3A_338 = arith.addf %add3A_300, %get3A_337 : vector<16xf32>
      %mul3A_339 = arith.constant 4 : i32
      %mul3A_340 = arith.muli %scan3A_217, %mul3A_339 : i32
      %add3A_341 = arith.constant 0 : i32
      %add3A_342 = arith.addi %add3A_341, %mul3A_340 : i32
      %add3A_343 = arith.constant 3 : i32
      %add3A_344 = arith.addi %add3A_342, %add3A_343 : i32
      %get3A_345 = arith.index_cast %add3A_344 : i32 to index
      %get3A_346 = arith.constant 0 : index
      %get3A_347 = tpu.vector_load %arg7[%get3A_345, %get3A_346] {strides = array<i32>} : memref<512x128xf32, #tpu.memory_space<vmem>>, vector<16xf32>,
      %add3A_348 = arith.addf %add3A_310, %get3A_347 : vector<16xf32>
      %get3A_349 = arith.index_cast %add3A_344 : i32 to index
      %get3A_350 = arith.constant 16 : index
      %get3A_351 = tpu.vector_load %arg7[%get3A_349, %get3A_350] {strides = array<i32>} : memref<512x128xf32, #tpu.memory_space<vmem>>, vector<16xf32>,
      %add3A_352 = arith.addf %add3A_314, %get3A_351 : vector<16xf32>
      %get3A_353 = arith.index_cast %add3A_344 : i32 to index
      %get3A_354 = arith.constant 32 : index
      %get3A_355 = tpu.vector_load %arg7[%get3A_353, %get3A_354] {strides = array<i32>} : memref<512x128xf32, #tpu.memory_space<vmem>>, vector<16xf32>,
      %add3A_356 = arith.addf %add3A_318, %get3A_355 : vector<16xf32>
      %get3A_357 = arith.index_cast %add3A_344 : i32 to index
      %get3A_358 = arith.constant 48 : index
      %get3A_359 = tpu.vector_load %arg7[%get3A_357, %get3A_358] {strides = array<i32>} : memref<512x128xf32, #tpu.memory_space<vmem>>, vector<16xf32>,
      %add3A_360 = arith.addf %add3A_322, %get3A_359 : vector<16xf32>
      %get3A_361 = arith.index_cast %add3A_344 : i32 to index
      %get3A_362 = arith.constant 64 : index
      %get3A_363 = tpu.vector_load %arg7[%get3A_361, %get3A_362] {strides = array<i32>} : memref<512x128xf32, #tpu.memory_space<vmem>>, vector<16xf32>,
      %add3A_364 = arith.addf %add3A_326, %get3A_363 : vector<16xf32>
      %get3A_365 = arith.index_cast %add3A_344 : i32 to index
      %get3A_366 = arith.constant 80 : index
      %get3A_367 = tpu.vector_load %arg7[%get3A_365, %get3A_366] {strides = array<i32>} : memref<512x128xf32, #tpu.memory_space<vmem>>, vector<16xf32>,
      %add3A_368 = arith.addf %add3A_330, %get3A_367 : vector<16xf32>
      %get3A_369 = arith.index_cast %add3A_344 : i32 to index
      %get3A_370 = arith.constant 96 : index
      %get3A_371 = tpu.vector_load %arg7[%get3A_369, %get3A_370] {strides = array<i32>} : memref<512x128xf32, #tpu.memory_space<vmem>>, vector<16xf32>,
      %add3A_372 = arith.addf %add3A_334, %get3A_371 : vector<16xf32>
      %get3A_373 = arith.index_cast %add3A_344 : i32 to index
      %get3A_374 = arith.constant 112 : index
      %get3A_375 = tpu.vector_load %arg7[%get3A_373, %get3A_374] {strides = array<i32>} : memref<512x128xf32, #tpu.memory_space<vmem>>, vector<16xf32>,
      %add3A_376 = arith.addf %add3A_338, %get3A_375 : vector<16xf32>
      scf.yield %add3A_348, %add3A_352, %add3A_356, %add3A_360, %add3A_364, %add3A_368, %add3A_372, %add3A_376 : vector<16xf32>, vector<16xf32>, vector<16xf32>, vector<16xf32>, vector<16xf32>, vector<16xf32>, vector<16xf32>, vector<16xf32>
    }
    %scan3A_140 = arith.constant 8 : i32
    %dma_wait3A_141 = arith.constant 32 : i32
    %dma_wait3A_142 = arith.constant 0 : i32
    %dma_wait3A_143 = tpu.memref_slice %arg7[%dma_wait3A_141, %dma_wait3A_142] : memref<512x128xf32, #tpu.memory_space<vmem>> -> memref<96x128xf32, #tpu.memory_space<vmem>>
    %dma_wait3A_144 = arith.constant 32 : i32
    %dma_wait3A_145 = tpu.memref_slice %arg6[%dma_wait3A_144] : memref<512xi32, #tpu.memory_space<vmem>> -> memref<96xi32, #tpu.memory_space<vmem>>
    %dma_wait3A_146 = arith.constant 0 : i32
    %dma_wait3A_147 = arith.constant 0 : i32
    %dma_wait3A_148 = tpu.memref_slice %arg4[%dma_wait3A_146, %dma_wait3A_147] : memref<100000x128xf32, #tpu.memory_space<hbm>> -> memref<100000x128xf32, #tpu.memory_space<hbm>>
    tpu.wait_indirect_dma semaphore(%arg14 : memref<!tpu.dma_semaphore, #tpu.memory_space<semaphore_mem>>) src(%dma_wait3A_148 : memref<100000x128xf32, #tpu.memory_space<hbm>>) dst(%dma_wait3A_143 : memref<96x128xf32, #tpu.memory_space<vmem>>)
    %scan3A_149 = arith.constant 0 : i32
    %scan3A_150 = arith.constant 24 : i32
    %scan3A_151 = arith.addi %scan3A_149, %scan3A_150 : i32
    %scan3A_152 = arith.constant 1 : i32
    %scan3A_153:8 = scf.for %scan3A_217 = %scan3A_149 to %scan3A_151 step %scan3A_152 iter_args(%scan3A_218 = %scan3A_139#0, %scan3A_219 = %scan3A_139#1, %scan3A_220 = %scan3A_139#2, %scan3A_221 = %scan3A_139#3, %scan3A_222 = %scan3A_139#4, %scan3A_223 = %scan3A_139#5, %scan3A_224 = %scan3A_139#6, %scan3A_225 = %scan3A_139#7) -> (vector<16xf32>, vector<16xf32>, vector<16xf32>, vector<16xf32>, vector<16xf32>, vector<16xf32>, vector<16xf32>, vector<16xf32>)  : i32 {
      %mul3A_226 = arith.constant 4 : i32
      %mul3A_227 = arith.muli %scan3A_217, %mul3A_226 : i32
      %add3A_228 = arith.constant 32 : i32
      %add3A_229 = arith.addi %add3A_228, %mul3A_227 : i32
      %add3A_230 = arith.constant 0 : i32
      %add3A_231 = arith.addi %add3A_229, %add3A_230 : i32
      %get3A = arith.index_cast %add3A_231 : i32 to index
      %get3A_232 = arith.constant 0 : index
      %get3A_233 = tpu.vector_load %arg7[%get3A, %get3A_232] {strides = array<i32>} : memref<512x128xf32, #tpu.memory_space<vmem>>, vector<16xf32>,
      %add3A_234 = arith.addf %scan3A_218, %get3A_233 : vector<16xf32>
      %get3A_235 = arith.index_cast %add3A_231 : i32 to index
      %get3A_236 = arith.constant 16 : index
      %get3A_237 = tpu.vector_load %arg7[%get3A_235, %get3A_236] {strides = array<i32>} : memref<512x128xf32, #tpu.memory_space<vmem>>, vector<16xf32>,
      %add3A_238 = arith.addf %scan3A_219, %get3A_237 : vector<16xf32>
      %get3A_239 = arith.index_cast %add3A_231 : i32 to index
      %get3A_240 = arith.constant 32 : index
      %get3A_241 = tpu.vector_load %arg7[%get3A_239, %get3A_240] {strides = array<i32>} : memref<512x128xf32, #tpu.memory_space<vmem>>, vector<16xf32>,
      %add3A_242 = arith.addf %scan3A_220, %get3A_241 : vector<16xf32>
      %get3A_243 = arith.index_cast %add3A_231 : i32 to index
      %get3A_244 = arith.constant 48 : index
      %get3A_245 = tpu.vector_load %arg7[%get3A_243, %get3A_244] {strides = array<i32>} : memref<512x128xf32, #tpu.memory_space<vmem>>, vector<16xf32>,
      %add3A_246 = arith.addf %scan3A_221, %get3A_245 : vector<16xf32>
      %get3A_247 = arith.index_cast %add3A_231 : i32 to index
      %get3A_248 = arith.constant 64 : index
      %get3A_249 = tpu.vector_load %arg7[%get3A_247, %get3A_248] {strides = array<i32>} : memref<512x128xf32, #tpu.memory_space<vmem>>, vector<16xf32>,
      %add3A_250 = arith.addf %scan3A_222, %get3A_249 : vector<16xf32>
      %get3A_251 = arith.index_cast %add3A_231 : i32 to index
      %get3A_252 = arith.constant 80 : index
      %get3A_253 = tpu.vector_load %arg7[%get3A_251, %get3A_252] {strides = array<i32>} : memref<512x128xf32, #tpu.memory_space<vmem>>, vector<16xf32>,
      %add3A_254 = arith.addf %scan3A_223, %get3A_253 : vector<16xf32>
      %get3A_255 = arith.index_cast %add3A_231 : i32 to index
      %get3A_256 = arith.constant 96 : index
      %get3A_257 = tpu.vector_load %arg7[%get3A_255, %get3A_256] {strides = array<i32>} : memref<512x128xf32, #tpu.memory_space<vmem>>, vector<16xf32>,
      %add3A_258 = arith.addf %scan3A_224, %get3A_257 : vector<16xf32>
      %get3A_259 = arith.index_cast %add3A_231 : i32 to index
      %get3A_260 = arith.constant 112 : index
      %get3A_261 = tpu.vector_load %arg7[%get3A_259, %get3A_260] {strides = array<i32>} : memref<512x128xf32, #tpu.memory_space<vmem>>, vector<16xf32>,
      %add3A_262 = arith.addf %scan3A_225, %get3A_261 : vector<16xf32>
      %mul3A_263 = arith.constant 4 : i32
      %mul3A_264 = arith.muli %scan3A_217, %mul3A_263 : i32
      %add3A_265 = arith.constant 32 : i32
      %add3A_266 = arith.addi %add3A_265, %mul3A_264 : i32
      %add3A_267 = arith.constant 1 : i32
      %add3A_268 = arith.addi %add3A_266, %add3A_267 : i32
      %get3A_269 = arith.index_cast %add3A_268 : i32 to index
      %get3A_270 = arith.constant 0 : index
      %get3A_271 = tpu.vector_load %arg7[%get3A_269, %get3A_270] {strides = array<i32>} : memref<512x128xf32, #tpu.memory_space<vmem>>, vector<16xf32>,
      %add3A_272 = arith.addf %add3A_234, %get3A_271 : vector<16xf32>
      %get3A_273 = arith.index_cast %add3A_268 : i32 to index
      %get3A_274 = arith.constant 16 : index
      %get3A_275 = tpu.vector_load %arg7[%get3A_273, %get3A_274] {strides = array<i32>} : memref<512x128xf32, #tpu.memory_space<vmem>>, vector<16xf32>,
      %add3A_276 = arith.addf %add3A_238, %get3A_275 : vector<16xf32>
      %get3A_277 = arith.index_cast %add3A_268 : i32 to index
      %get3A_278 = arith.constant 32 : index
      %get3A_279 = tpu.vector_load %arg7[%get3A_277, %get3A_278] {strides = array<i32>} : memref<512x128xf32, #tpu.memory_space<vmem>>, vector<16xf32>,
      %add3A_280 = arith.addf %add3A_242, %get3A_279 : vector<16xf32>
      %get3A_281 = arith.index_cast %add3A_268 : i32 to index
      %get3A_282 = arith.constant 48 : index
      %get3A_283 = tpu.vector_load %arg7[%get3A_281, %get3A_282] {strides = array<i32>} : memref<512x128xf32, #tpu.memory_space<vmem>>, vector<16xf32>,
      %add3A_284 = arith.addf %add3A_246, %get3A_283 : vector<16xf32>
      %get3A_285 = arith.index_cast %add3A_268 : i32 to index
      %get3A_286 = arith.constant 64 : index
      %get3A_287 = tpu.vector_load %arg7[%get3A_285, %get3A_286] {strides = array<i32>} : memref<512x128xf32, #tpu.memory_space<vmem>>, vector<16xf32>,
      %add3A_288 = arith.addf %add3A_250, %get3A_287 : vector<16xf32>
      %get3A_289 = arith.index_cast %add3A_268 : i32 to index
      %get3A_290 = arith.constant 80 : index
      %get3A_291 = tpu.vector_load %arg7[%get3A_289, %get3A_290] {strides = array<i32>} : memref<512x128xf32, #tpu.memory_space<vmem>>, vector<16xf32>,
      %add3A_292 = arith.addf %add3A_254, %get3A_291 : vector<16xf32>
      %get3A_293 = arith.index_cast %add3A_268 : i32 to index
      %get3A_294 = arith.constant 96 : index
      %get3A_295 = tpu.vector_load %arg7[%get3A_293, %get3A_294] {strides = array<i32>} : memref<512x128xf32, #tpu.memory_space<vmem>>, vector<16xf32>,
      %add3A_296 = arith.addf %add3A_258, %get3A_295 : vector<16xf32>
      %get3A_297 = arith.index_cast %add3A_268 : i32 to index
      %get3A_298 = arith.constant 112 : index
      %get3A_299 = tpu.vector_load %arg7[%get3A_297, %get3A_298] {strides = array<i32>} : memref<512x128xf32, #tpu.memory_space<vmem>>, vector<16xf32>,
      %add3A_300 = arith.addf %add3A_262, %get3A_299 : vector<16xf32>
      %mul3A_301 = arith.constant 4 : i32
      %mul3A_302 = arith.muli %scan3A_217, %mul3A_301 : i32
      %add3A_303 = arith.constant 32 : i32
      %add3A_304 = arith.addi %add3A_303, %mul3A_302 : i32
      %add3A_305 = arith.constant 2 : i32
      %add3A_306 = arith.addi %add3A_304, %add3A_305 : i32
      %get3A_307 = arith.index_cast %add3A_306 : i32 to index
      %get3A_308 = arith.constant 0 : index
      %get3A_309 = tpu.vector_load %arg7[%get3A_307, %get3A_308] {strides = array<i32>} : memref<512x128xf32, #tpu.memory_space<vmem>>, vector<16xf32>,
      %add3A_310 = arith.addf %add3A_272, %get3A_309 : vector<16xf32>
      %get3A_311 = arith.index_cast %add3A_306 : i32 to index
      %get3A_312 = arith.constant 16 : index
      %get3A_313 = tpu.vector_load %arg7[%get3A_311, %get3A_312] {strides = array<i32>} : memref<512x128xf32, #tpu.memory_space<vmem>>, vector<16xf32>,
      %add3A_314 = arith.addf %add3A_276, %get3A_313 : vector<16xf32>
      %get3A_315 = arith.index_cast %add3A_306 : i32 to index
      %get3A_316 = arith.constant 32 : index
      %get3A_317 = tpu.vector_load %arg7[%get3A_315, %get3A_316] {strides = array<i32>} : memref<512x128xf32, #tpu.memory_space<vmem>>, vector<16xf32>,
      %add3A_318 = arith.addf %add3A_280, %get3A_317 : vector<16xf32>
      %get3A_319 = arith.index_cast %add3A_306 : i32 to index
      %get3A_320 = arith.constant 48 : index
      %get3A_321 = tpu.vector_load %arg7[%get3A_319, %get3A_320] {strides = array<i32>} : memref<512x128xf32, #tpu.memory_space<vmem>>, vector<16xf32>,
      %add3A_322 = arith.addf %add3A_284, %get3A_321 : vector<16xf32>
      %get3A_323 = arith.index_cast %add3A_306 : i32 to index
      %get3A_324 = arith.constant 64 : index
      %get3A_325 = tpu.vector_load %arg7[%get3A_323, %get3A_324] {strides = array<i32>} : memref<512x128xf32, #tpu.memory_space<vmem>>, vector<16xf32>,
      %add3A_326 = arith.addf %add3A_288, %get3A_325 : vector<16xf32>
      %get3A_327 = arith.index_cast %add3A_306 : i32 to index
      %get3A_328 = arith.constant 80 : index
      %get3A_329 = tpu.vector_load %arg7[%get3A_327, %get3A_328] {strides = array<i32>} : memref<512x128xf32, #tpu.memory_space<vmem>>, vector<16xf32>,
      %add3A_330 = arith.addf %add3A_292, %get3A_329 : vector<16xf32>
      %get3A_331 = arith.index_cast %add3A_306 : i32 to index
      %get3A_332 = arith.constant 96 : index
      %get3A_333 = tpu.vector_load %arg7[%get3A_331, %get3A_332] {strides = array<i32>} : memref<512x128xf32, #tpu.memory_space<vmem>>, vector<16xf32>,
      %add3A_334 = arith.addf %add3A_296, %get3A_333 : vector<16xf32>
      %get3A_335 = arith.index_cast %add3A_306 : i32 to index
      %get3A_336 = arith.constant 112 : index
      %get3A_337 = tpu.vector_load %arg7[%get3A_335, %get3A_336] {strides = array<i32>} : memref<512x128xf32, #tpu.memory_space<vmem>>, vector<16xf32>,
      %add3A_338 = arith.addf %add3A_300, %get3A_337 : vector<16xf32>
      %mul3A_339 = arith.constant 4 : i32
      %mul3A_340 = arith.muli %scan3A_217, %mul3A_339 : i32
      %add3A_341 = arith.constant 32 : i32
      %add3A_342 = arith.addi %add3A_341, %mul3A_340 : i32
      %add3A_343 = arith.constant 3 : i32
      %add3A_344 = arith.addi %add3A_342, %add3A_343 : i32
      %get3A_345 = arith.index_cast %add3A_344 : i32 to index
      %get3A_346 = arith.constant 0 : index
      %get3A_347 = tpu.vector_load %arg7[%get3A_345, %get3A_346] {strides = array<i32>} : memref<512x128xf32, #tpu.memory_space<vmem>>, vector<16xf32>,
      %add3A_348 = arith.addf %add3A_310, %get3A_347 : vector<16xf32>
      %get3A_349 = arith.index_cast %add3A_344 : i32 to index
      %get3A_350 = arith.constant 16 : index
      %get3A_351 = tpu.vector_load %arg7[%get3A_349, %get3A_350] {strides = array<i32>} : memref<512x128xf32, #tpu.memory_space<vmem>>, vector<16xf32>,
      %add3A_352 = arith.addf %add3A_314, %get3A_351 : vector<16xf32>
      %get3A_353 = arith.index_cast %add3A_344 : i32 to index
      %get3A_354 = arith.constant 32 : index
      %get3A_355 = tpu.vector_load %arg7[%get3A_353, %get3A_354] {strides = array<i32>} : memref<512x128xf32, #tpu.memory_space<vmem>>, vector<16xf32>,
      %add3A_356 = arith.addf %add3A_318, %get3A_355 : vector<16xf32>
      %get3A_357 = arith.index_cast %add3A_344 : i32 to index
      %get3A_358 = arith.constant 48 : index
      %get3A_359 = tpu.vector_load %arg7[%get3A_357, %get3A_358] {strides = array<i32>} : memref<512x128xf32, #tpu.memory_space<vmem>>, vector<16xf32>,
      %add3A_360 = arith.addf %add3A_322, %get3A_359 : vector<16xf32>
      %get3A_361 = arith.index_cast %add3A_344 : i32 to index
      %get3A_362 = arith.constant 64 : index
      %get3A_363 = tpu.vector_load %arg7[%get3A_361, %get3A_362] {strides = array<i32>} : memref<512x128xf32, #tpu.memory_space<vmem>>, vector<16xf32>,
      %add3A_364 = arith.addf %add3A_326, %get3A_363 : vector<16xf32>
      %get3A_365 = arith.index_cast %add3A_344 : i32 to index
      %get3A_366 = arith.constant 80 : index
      %get3A_367 = tpu.vector_load %arg7[%get3A_365, %get3A_366] {strides = array<i32>} : memref<512x128xf32, #tpu.memory_space<vmem>>, vector<16xf32>,
      %add3A_368 = arith.addf %add3A_330, %get3A_367 : vector<16xf32>
      %get3A_369 = arith.index_cast %add3A_344 : i32 to index
      %get3A_370 = arith.constant 96 : index
      %get3A_371 = tpu.vector_load %arg7[%get3A_369, %get3A_370] {strides = array<i32>} : memref<512x128xf32, #tpu.memory_space<vmem>>, vector<16xf32>,
      %add3A_372 = arith.addf %add3A_334, %get3A_371 : vector<16xf32>
      %get3A_373 = arith.index_cast %add3A_344 : i32 to index
      %get3A_374 = arith.constant 112 : index
      %get3A_375 = tpu.vector_load %arg7[%get3A_373, %get3A_374] {strides = array<i32>} : memref<512x128xf32, #tpu.memory_space<vmem>>, vector<16xf32>,
      %add3A_376 = arith.addf %add3A_338, %get3A_375 : vector<16xf32>
      scf.yield %add3A_348, %add3A_352, %add3A_356, %add3A_360, %add3A_364, %add3A_368, %add3A_372, %add3A_376 : vector<16xf32>, vector<16xf32>, vector<16xf32>, vector<16xf32>, vector<16xf32>, vector<16xf32>, vector<16xf32>, vector<16xf32>
    }
    %scan3A_154 = arith.constant 24 : i32
    %dma_wait3A_155 = arith.constant 128 : i32
    %dma_wait3A_156 = arith.constant 0 : i32
    %dma_wait3A_157 = tpu.memref_slice %arg7[%dma_wait3A_155, %dma_wait3A_156] : memref<512x128xf32, #tpu.memory_space<vmem>> -> memref<128x128xf32, #tpu.memory_space<vmem>>
    %dma_wait3A_158 = arith.constant 128 : i32
    %dma_wait3A_159 = tpu.memref_slice %arg6[%dma_wait3A_158] : memref<512xi32, #tpu.memory_space<vmem>> -> memref<128xi32, #tpu.memory_space<vmem>>
    %dma_wait3A_160 = arith.constant 0 : i32
    %dma_wait3A_161 = arith.constant 0 : i32
    %dma_wait3A_162 = tpu.memref_slice %arg4[%dma_wait3A_160, %dma_wait3A_161] : memref<100000x128xf32, #tpu.memory_space<hbm>> -> memref<100000x128xf32, #tpu.memory_space<hbm>>
    tpu.wait_indirect_dma semaphore(%arg14 : memref<!tpu.dma_semaphore, #tpu.memory_space<semaphore_mem>>) src(%dma_wait3A_162 : memref<100000x128xf32, #tpu.memory_space<hbm>>) dst(%dma_wait3A_157 : memref<128x128xf32, #tpu.memory_space<vmem>>)
    %scan3A_163 = arith.constant 0 : i32
    %scan3A_164 = arith.constant 32 : i32
    %scan3A_165 = arith.addi %scan3A_163, %scan3A_164 : i32
    %scan3A_166 = arith.constant 1 : i32
    %scan3A_167:8 = scf.for %scan3A_217 = %scan3A_163 to %scan3A_165 step %scan3A_166 iter_args(%scan3A_218 = %scan3A_153#0, %scan3A_219 = %scan3A_153#1, %scan3A_220 = %scan3A_153#2, %scan3A_221 = %scan3A_153#3, %scan3A_222 = %scan3A_153#4, %scan3A_223 = %scan3A_153#5, %scan3A_224 = %scan3A_153#6, %scan3A_225 = %scan3A_153#7) -> (vector<16xf32>, vector<16xf32>, vector<16xf32>, vector<16xf32>, vector<16xf32>, vector<16xf32>, vector<16xf32>, vector<16xf32>)  : i32 {
      %mul3A_226 = arith.constant 4 : i32
      %mul3A_227 = arith.muli %scan3A_217, %mul3A_226 : i32
      %add3A_228 = arith.constant 128 : i32
      %add3A_229 = arith.addi %add3A_228, %mul3A_227 : i32
      %add3A_230 = arith.constant 0 : i32
      %add3A_231 = arith.addi %add3A_229, %add3A_230 : i32
      %get3A = arith.index_cast %add3A_231 : i32 to index
      %get3A_232 = arith.constant 0 : index
      %get3A_233 = tpu.vector_load %arg7[%get3A, %get3A_232] {strides = array<i32>} : memref<512x128xf32, #tpu.memory_space<vmem>>, vector<16xf32>,
      %add3A_234 = arith.addf %scan3A_218, %get3A_233 : vector<16xf32>
      %get3A_235 = arith.index_cast %add3A_231 : i32 to index
      %get3A_236 = arith.constant 16 : index
      %get3A_237 = tpu.vector_load %arg7[%get3A_235, %get3A_236] {strides = array<i32>} : memref<512x128xf32, #tpu.memory_space<vmem>>, vector<16xf32>,
      %add3A_238 = arith.addf %scan3A_219, %get3A_237 : vector<16xf32>
      %get3A_239 = arith.index_cast %add3A_231 : i32 to index
      %get3A_240 = arith.constant 32 : index
      %get3A_241 = tpu.vector_load %arg7[%get3A_239, %get3A_240] {strides = array<i32>} : memref<512x128xf32, #tpu.memory_space<vmem>>, vector<16xf32>,
      %add3A_242 = arith.addf %scan3A_220, %get3A_241 : vector<16xf32>
      %get3A_243 = arith.index_cast %add3A_231 : i32 to index
      %get3A_244 = arith.constant 48 : index
      %get3A_245 = tpu.vector_load %arg7[%get3A_243, %get3A_244] {strides = array<i32>} : memref<512x128xf32, #tpu.memory_space<vmem>>, vector<16xf32>,
      %add3A_246 = arith.addf %scan3A_221, %get3A_245 : vector<16xf32>
      %get3A_247 = arith.index_cast %add3A_231 : i32 to index
      %get3A_248 = arith.constant 64 : index
      %get3A_249 = tpu.vector_load %arg7[%get3A_247, %get3A_248] {strides = array<i32>} : memref<512x128xf32, #tpu.memory_space<vmem>>, vector<16xf32>,
      %add3A_250 = arith.addf %scan3A_222, %get3A_249 : vector<16xf32>
      %get3A_251 = arith.index_cast %add3A_231 : i32 to index
      %get3A_252 = arith.constant 80 : index
      %get3A_253 = tpu.vector_load %arg7[%get3A_251, %get3A_252] {strides = array<i32>} : memref<512x128xf32, #tpu.memory_space<vmem>>, vector<16xf32>,
      %add3A_254 = arith.addf %scan3A_223, %get3A_253 : vector<16xf32>
      %get3A_255 = arith.index_cast %add3A_231 : i32 to index
      %get3A_256 = arith.constant 96 : index
      %get3A_257 = tpu.vector_load %arg7[%get3A_255, %get3A_256] {strides = array<i32>} : memref<512x128xf32, #tpu.memory_space<vmem>>, vector<16xf32>,
      %add3A_258 = arith.addf %scan3A_224, %get3A_257 : vector<16xf32>
      %get3A_259 = arith.index_cast %add3A_231 : i32 to index
      %get3A_260 = arith.constant 112 : index
      %get3A_261 = tpu.vector_load %arg7[%get3A_259, %get3A_260] {strides = array<i32>} : memref<512x128xf32, #tpu.memory_space<vmem>>, vector<16xf32>,
      %add3A_262 = arith.addf %scan3A_225, %get3A_261 : vector<16xf32>
      %mul3A_263 = arith.constant 4 : i32
      %mul3A_264 = arith.muli %scan3A_217, %mul3A_263 : i32
      %add3A_265 = arith.constant 128 : i32
      %add3A_266 = arith.addi %add3A_265, %mul3A_264 : i32
      %add3A_267 = arith.constant 1 : i32
      %add3A_268 = arith.addi %add3A_266, %add3A_267 : i32
      %get3A_269 = arith.index_cast %add3A_268 : i32 to index
      %get3A_270 = arith.constant 0 : index
      %get3A_271 = tpu.vector_load %arg7[%get3A_269, %get3A_270] {strides = array<i32>} : memref<512x128xf32, #tpu.memory_space<vmem>>, vector<16xf32>,
      %add3A_272 = arith.addf %add3A_234, %get3A_271 : vector<16xf32>
      %get3A_273 = arith.index_cast %add3A_268 : i32 to index
      %get3A_274 = arith.constant 16 : index
      %get3A_275 = tpu.vector_load %arg7[%get3A_273, %get3A_274] {strides = array<i32>} : memref<512x128xf32, #tpu.memory_space<vmem>>, vector<16xf32>,
      %add3A_276 = arith.addf %add3A_238, %get3A_275 : vector<16xf32>
      %get3A_277 = arith.index_cast %add3A_268 : i32 to index
      %get3A_278 = arith.constant 32 : index
      %get3A_279 = tpu.vector_load %arg7[%get3A_277, %get3A_278] {strides = array<i32>} : memref<512x128xf32, #tpu.memory_space<vmem>>, vector<16xf32>,
      %add3A_280 = arith.addf %add3A_242, %get3A_279 : vector<16xf32>
      %get3A_281 = arith.index_cast %add3A_268 : i32 to index
      %get3A_282 = arith.constant 48 : index
      %get3A_283 = tpu.vector_load %arg7[%get3A_281, %get3A_282] {strides = array<i32>} : memref<512x128xf32, #tpu.memory_space<vmem>>, vector<16xf32>,
      %add3A_284 = arith.addf %add3A_246, %get3A_283 : vector<16xf32>
      %get3A_285 = arith.index_cast %add3A_268 : i32 to index
      %get3A_286 = arith.constant 64 : index
      %get3A_287 = tpu.vector_load %arg7[%get3A_285, %get3A_286] {strides = array<i32>} : memref<512x128xf32, #tpu.memory_space<vmem>>, vector<16xf32>,
      %add3A_288 = arith.addf %add3A_250, %get3A_287 : vector<16xf32>
      %get3A_289 = arith.index_cast %add3A_268 : i32 to index
      %get3A_290 = arith.constant 80 : index
      %get3A_291 = tpu.vector_load %arg7[%get3A_289, %get3A_290] {strides = array<i32>} : memref<512x128xf32, #tpu.memory_space<vmem>>, vector<16xf32>,
      %add3A_292 = arith.addf %add3A_254, %get3A_291 : vector<16xf32>
      %get3A_293 = arith.index_cast %add3A_268 : i32 to index
      %get3A_294 = arith.constant 96 : index
      %get3A_295 = tpu.vector_load %arg7[%get3A_293, %get3A_294] {strides = array<i32>} : memref<512x128xf32, #tpu.memory_space<vmem>>, vector<16xf32>,
      %add3A_296 = arith.addf %add3A_258, %get3A_295 : vector<16xf32>
      %get3A_297 = arith.index_cast %add3A_268 : i32 to index
      %get3A_298 = arith.constant 112 : index
      %get3A_299 = tpu.vector_load %arg7[%get3A_297, %get3A_298] {strides = array<i32>} : memref<512x128xf32, #tpu.memory_space<vmem>>, vector<16xf32>,
      %add3A_300 = arith.addf %add3A_262, %get3A_299 : vector<16xf32>
      %mul3A_301 = arith.constant 4 : i32
      %mul3A_302 = arith.muli %scan3A_217, %mul3A_301 : i32
      %add3A_303 = arith.constant 128 : i32
      %add3A_304 = arith.addi %add3A_303, %mul3A_302 : i32
      %add3A_305 = arith.constant 2 : i32
      %add3A_306 = arith.addi %add3A_304, %add3A_305 : i32
      %get3A_307 = arith.index_cast %add3A_306 : i32 to index
      %get3A_308 = arith.constant 0 : index
      %get3A_309 = tpu.vector_load %arg7[%get3A_307, %get3A_308] {strides = array<i32>} : memref<512x128xf32, #tpu.memory_space<vmem>>, vector<16xf32>,
      %add3A_310 = arith.addf %add3A_272, %get3A_309 : vector<16xf32>
      %get3A_311 = arith.index_cast %add3A_306 : i32 to index
      %get3A_312 = arith.constant 16 : index
      %get3A_313 = tpu.vector_load %arg7[%get3A_311, %get3A_312] {strides = array<i32>} : memref<512x128xf32, #tpu.memory_space<vmem>>, vector<16xf32>,
      %add3A_314 = arith.addf %add3A_276, %get3A_313 : vector<16xf32>
      %get3A_315 = arith.index_cast %add3A_306 : i32 to index
      %get3A_316 = arith.constant 32 : index
      %get3A_317 = tpu.vector_load %arg7[%get3A_315, %get3A_316] {strides = array<i32>} : memref<512x128xf32, #tpu.memory_space<vmem>>, vector<16xf32>,
      %add3A_318 = arith.addf %add3A_280, %get3A_317 : vector<16xf32>
      %get3A_319 = arith.index_cast %add3A_306 : i32 to index
      %get3A_320 = arith.constant 48 : index
      %get3A_321 = tpu.vector_load %arg7[%get3A_319, %get3A_320] {strides = array<i32>} : memref<512x128xf32, #tpu.memory_space<vmem>>, vector<16xf32>,
      %add3A_322 = arith.addf %add3A_284, %get3A_321 : vector<16xf32>
      %get3A_323 = arith.index_cast %add3A_306 : i32 to index
      %get3A_324 = arith.constant 64 : index
      %get3A_325 = tpu.vector_load %arg7[%get3A_323, %get3A_324] {strides = array<i32>} : memref<512x128xf32, #tpu.memory_space<vmem>>, vector<16xf32>,
      %add3A_326 = arith.addf %add3A_288, %get3A_325 : vector<16xf32>
      %get3A_327 = arith.index_cast %add3A_306 : i32 to index
      %get3A_328 = arith.constant 80 : index
      %get3A_329 = tpu.vector_load %arg7[%get3A_327, %get3A_328] {strides = array<i32>} : memref<512x128xf32, #tpu.memory_space<vmem>>, vector<16xf32>,
      %add3A_330 = arith.addf %add3A_292, %get3A_329 : vector<16xf32>
      %get3A_331 = arith.index_cast %add3A_306 : i32 to index
      %get3A_332 = arith.constant 96 : index
      %get3A_333 = tpu.vector_load %arg7[%get3A_331, %get3A_332] {strides = array<i32>} : memref<512x128xf32, #tpu.memory_space<vmem>>, vector<16xf32>,
      %add3A_334 = arith.addf %add3A_296, %get3A_333 : vector<16xf32>
      %get3A_335 = arith.index_cast %add3A_306 : i32 to index
      %get3A_336 = arith.constant 112 : index
      %get3A_337 = tpu.vector_load %arg7[%get3A_335, %get3A_336] {strides = array<i32>} : memref<512x128xf32, #tpu.memory_space<vmem>>, vector<16xf32>,
      %add3A_338 = arith.addf %add3A_300, %get3A_337 : vector<16xf32>
      %mul3A_339 = arith.constant 4 : i32
      %mul3A_340 = arith.muli %scan3A_217, %mul3A_339 : i32
      %add3A_341 = arith.constant 128 : i32
      %add3A_342 = arith.addi %add3A_341, %mul3A_340 : i32
      %add3A_343 = arith.constant 3 : i32
      %add3A_344 = arith.addi %add3A_342, %add3A_343 : i32
      %get3A_345 = arith.index_cast %add3A_344 : i32 to index
      %get3A_346 = arith.constant 0 : index
      %get3A_347 = tpu.vector_load %arg7[%get3A_345, %get3A_346] {strides = array<i32>} : memref<512x128xf32, #tpu.memory_space<vmem>>, vector<16xf32>,
      %add3A_348 = arith.addf %add3A_310, %get3A_347 : vector<16xf32>
      %get3A_349 = arith.index_cast %add3A_344 : i32 to index
      %get3A_350 = arith.constant 16 : index
      %get3A_351 = tpu.vector_load %arg7[%get3A_349, %get3A_350] {strides = array<i32>} : memref<512x128xf32, #tpu.memory_space<vmem>>, vector<16xf32>,
      %add3A_352 = arith.addf %add3A_314, %get3A_351 : vector<16xf32>
      %get3A_353 = arith.index_cast %add3A_344 : i32 to index
      %get3A_354 = arith.constant 32 : index
      %get3A_355 = tpu.vector_load %arg7[%get3A_353, %get3A_354] {strides = array<i32>} : memref<512x128xf32, #tpu.memory_space<vmem>>, vector<16xf32>,
      %add3A_356 = arith.addf %add3A_318, %get3A_355 : vector<16xf32>
      %get3A_357 = arith.index_cast %add3A_344 : i32 to index
      %get3A_358 = arith.constant 48 : index
      %get3A_359 = tpu.vector_load %arg7[%get3A_357, %get3A_358] {strides = array<i32>} : memref<512x128xf32, #tpu.memory_space<vmem>>, vector<16xf32>,
      %add3A_360 = arith.addf %add3A_322, %get3A_359 : vector<16xf32>
      %get3A_361 = arith.index_cast %add3A_344 : i32 to index
      %get3A_362 = arith.constant 64 : index
      %get3A_363 = tpu.vector_load %arg7[%get3A_361, %get3A_362] {strides = array<i32>} : memref<512x128xf32, #tpu.memory_space<vmem>>, vector<16xf32>,
      %add3A_364 = arith.addf %add3A_326, %get3A_363 : vector<16xf32>
      %get3A_365 = arith.index_cast %add3A_344 : i32 to index
      %get3A_366 = arith.constant 80 : index
      %get3A_367 = tpu.vector_load %arg7[%get3A_365, %get3A_366] {strides = array<i32>} : memref<512x128xf32, #tpu.memory_space<vmem>>, vector<16xf32>,
      %add3A_368 = arith.addf %add3A_330, %get3A_367 : vector<16xf32>
      %get3A_369 = arith.index_cast %add3A_344 : i32 to index
      %get3A_370 = arith.constant 96 : index
      %get3A_371 = tpu.vector_load %arg7[%get3A_369, %get3A_370] {strides = array<i32>} : memref<512x128xf32, #tpu.memory_space<vmem>>, vector<16xf32>,
      %add3A_372 = arith.addf %add3A_334, %get3A_371 : vector<16xf32>
      %get3A_373 = arith.index_cast %add3A_344 : i32 to index
      %get3A_374 = arith.constant 112 : index
      %get3A_375 = tpu.vector_load %arg7[%get3A_373, %get3A_374] {strides = array<i32>} : memref<512x128xf32, #tpu.memory_space<vmem>>, vector<16xf32>,
      %add3A_376 = arith.addf %add3A_338, %get3A_375 : vector<16xf32>
      scf.yield %add3A_348, %add3A_352, %add3A_356, %add3A_360, %add3A_364, %add3A_368, %add3A_372, %add3A_376 : vector<16xf32>, vector<16xf32>, vector<16xf32>, vector<16xf32>, vector<16xf32>, vector<16xf32>, vector<16xf32>, vector<16xf32>
    }
    %scan3A_168 = arith.constant 32 : i32
    %dma_wait3A_169 = arith.constant 256 : i32
    %dma_wait3A_170 = arith.constant 0 : i32
    %dma_wait3A_171 = tpu.memref_slice %arg7[%dma_wait3A_169, %dma_wait3A_170] : memref<512x128xf32, #tpu.memory_space<vmem>> -> memref<128x128xf32, #tpu.memory_space<vmem>>
    %dma_wait3A_172 = arith.constant 256 : i32
    %dma_wait3A_173 = tpu.memref_slice %arg6[%dma_wait3A_172] : memref<512xi32, #tpu.memory_space<vmem>> -> memref<128xi32, #tpu.memory_space<vmem>>
    %dma_wait3A_174 = arith.constant 0 : i32
    %dma_wait3A_175 = arith.constant 0 : i32
    %dma_wait3A_176 = tpu.memref_slice %arg4[%dma_wait3A_174, %dma_wait3A_175] : memref<100000x128xf32, #tpu.memory_space<hbm>> -> memref<100000x128xf32, #tpu.memory_space<hbm>>
    tpu.wait_indirect_dma semaphore(%arg14 : memref<!tpu.dma_semaphore, #tpu.memory_space<semaphore_mem>>) src(%dma_wait3A_176 : memref<100000x128xf32, #tpu.memory_space<hbm>>) dst(%dma_wait3A_171 : memref<128x128xf32, #tpu.memory_space<vmem>>)
    %scan3A_177 = arith.constant 0 : i32
    %scan3A_178 = arith.constant 32 : i32
    %scan3A_179 = arith.addi %scan3A_177, %scan3A_178 : i32
    %scan3A_180 = arith.constant 1 : i32
    %scan3A_181:8 = scf.for %scan3A_217 = %scan3A_177 to %scan3A_179 step %scan3A_180 iter_args(%scan3A_218 = %scan3A_167#0, %scan3A_219 = %scan3A_167#1, %scan3A_220 = %scan3A_167#2, %scan3A_221 = %scan3A_167#3, %scan3A_222 = %scan3A_167#4, %scan3A_223 = %scan3A_167#5, %scan3A_224 = %scan3A_167#6, %scan3A_225 = %scan3A_167#7) -> (vector<16xf32>, vector<16xf32>, vector<16xf32>, vector<16xf32>, vector<16xf32>, vector<16xf32>, vector<16xf32>, vector<16xf32>)  : i32 {
      %mul3A_226 = arith.constant 4 : i32
      %mul3A_227 = arith.muli %scan3A_217, %mul3A_226 : i32
      %add3A_228 = arith.constant 256 : i32
      %add3A_229 = arith.addi %add3A_228, %mul3A_227 : i32
      %add3A_230 = arith.constant 0 : i32
      %add3A_231 = arith.addi %add3A_229, %add3A_230 : i32
      %get3A = arith.index_cast %add3A_231 : i32 to index
      %get3A_232 = arith.constant 0 : index
      %get3A_233 = tpu.vector_load %arg7[%get3A, %get3A_232] {strides = array<i32>} : memref<512x128xf32, #tpu.memory_space<vmem>>, vector<16xf32>,
      %add3A_234 = arith.addf %scan3A_218, %get3A_233 : vector<16xf32>
      %get3A_235 = arith.index_cast %add3A_231 : i32 to index
      %get3A_236 = arith.constant 16 : index
      %get3A_237 = tpu.vector_load %arg7[%get3A_235, %get3A_236] {strides = array<i32>} : memref<512x128xf32, #tpu.memory_space<vmem>>, vector<16xf32>,
      %add3A_238 = arith.addf %scan3A_219, %get3A_237 : vector<16xf32>
      %get3A_239 = arith.index_cast %add3A_231 : i32 to index
      %get3A_240 = arith.constant 32 : index
      %get3A_241 = tpu.vector_load %arg7[%get3A_239, %get3A_240] {strides = array<i32>} : memref<512x128xf32, #tpu.memory_space<vmem>>, vector<16xf32>,
      %add3A_242 = arith.addf %scan3A_220, %get3A_241 : vector<16xf32>
      %get3A_243 = arith.index_cast %add3A_231 : i32 to index
      %get3A_244 = arith.constant 48 : index
      %get3A_245 = tpu.vector_load %arg7[%get3A_243, %get3A_244] {strides = array<i32>} : memref<512x128xf32, #tpu.memory_space<vmem>>, vector<16xf32>,
      %add3A_246 = arith.addf %scan3A_221, %get3A_245 : vector<16xf32>
      %get3A_247 = arith.index_cast %add3A_231 : i32 to index
      %get3A_248 = arith.constant 64 : index
      %get3A_249 = tpu.vector_load %arg7[%get3A_247, %get3A_248] {strides = array<i32>} : memref<512x128xf32, #tpu.memory_space<vmem>>, vector<16xf32>,
      %add3A_250 = arith.addf %scan3A_222, %get3A_249 : vector<16xf32>
      %get3A_251 = arith.index_cast %add3A_231 : i32 to index
      %get3A_252 = arith.constant 80 : index
      %get3A_253 = tpu.vector_load %arg7[%get3A_251, %get3A_252] {strides = array<i32>} : memref<512x128xf32, #tpu.memory_space<vmem>>, vector<16xf32>,
      %add3A_254 = arith.addf %scan3A_223, %get3A_253 : vector<16xf32>
      %get3A_255 = arith.index_cast %add3A_231 : i32 to index
      %get3A_256 = arith.constant 96 : index
      %get3A_257 = tpu.vector_load %arg7[%get3A_255, %get3A_256] {strides = array<i32>} : memref<512x128xf32, #tpu.memory_space<vmem>>, vector<16xf32>,
      %add3A_258 = arith.addf %scan3A_224, %get3A_257 : vector<16xf32>
      %get3A_259 = arith.index_cast %add3A_231 : i32 to index
      %get3A_260 = arith.constant 112 : index
      %get3A_261 = tpu.vector_load %arg7[%get3A_259, %get3A_260] {strides = array<i32>} : memref<512x128xf32, #tpu.memory_space<vmem>>, vector<16xf32>,
      %add3A_262 = arith.addf %scan3A_225, %get3A_261 : vector<16xf32>
      %mul3A_263 = arith.constant 4 : i32
      %mul3A_264 = arith.muli %scan3A_217, %mul3A_263 : i32
      %add3A_265 = arith.constant 256 : i32
      %add3A_266 = arith.addi %add3A_265, %mul3A_264 : i32
      %add3A_267 = arith.constant 1 : i32
      %add3A_268 = arith.addi %add3A_266, %add3A_267 : i32
      %get3A_269 = arith.index_cast %add3A_268 : i32 to index
      %get3A_270 = arith.constant 0 : index
      %get3A_271 = tpu.vector_load %arg7[%get3A_269, %get3A_270] {strides = array<i32>} : memref<512x128xf32, #tpu.memory_space<vmem>>, vector<16xf32>,
      %add3A_272 = arith.addf %add3A_234, %get3A_271 : vector<16xf32>
      %get3A_273 = arith.index_cast %add3A_268 : i32 to index
      %get3A_274 = arith.constant 16 : index
      %get3A_275 = tpu.vector_load %arg7[%get3A_273, %get3A_274] {strides = array<i32>} : memref<512x128xf32, #tpu.memory_space<vmem>>, vector<16xf32>,
      %add3A_276 = arith.addf %add3A_238, %get3A_275 : vector<16xf32>
      %get3A_277 = arith.index_cast %add3A_268 : i32 to index
      %get3A_278 = arith.constant 32 : index
      %get3A_279 = tpu.vector_load %arg7[%get3A_277, %get3A_278] {strides = array<i32>} : memref<512x128xf32, #tpu.memory_space<vmem>>, vector<16xf32>,
      %add3A_280 = arith.addf %add3A_242, %get3A_279 : vector<16xf32>
      %get3A_281 = arith.index_cast %add3A_268 : i32 to index
      %get3A_282 = arith.constant 48 : index
      %get3A_283 = tpu.vector_load %arg7[%get3A_281, %get3A_282] {strides = array<i32>} : memref<512x128xf32, #tpu.memory_space<vmem>>, vector<16xf32>,
      %add3A_284 = arith.addf %add3A_246, %get3A_283 : vector<16xf32>
      %get3A_285 = arith.index_cast %add3A_268 : i32 to index
      %get3A_286 = arith.constant 64 : index
      %get3A_287 = tpu.vector_load %arg7[%get3A_285, %get3A_286] {strides = array<i32>} : memref<512x128xf32, #tpu.memory_space<vmem>>, vector<16xf32>,
      %add3A_288 = arith.addf %add3A_250, %get3A_287 : vector<16xf32>
      %get3A_289 = arith.index_cast %add3A_268 : i32 to index
      %get3A_290 = arith.constant 80 : index
      %get3A_291 = tpu.vector_load %arg7[%get3A_289, %get3A_290] {strides = array<i32>} : memref<512x128xf32, #tpu.memory_space<vmem>>, vector<16xf32>,
      %add3A_292 = arith.addf %add3A_254, %get3A_291 : vector<16xf32>
      %get3A_293 = arith.index_cast %add3A_268 : i32 to index
      %get3A_294 = arith.constant 96 : index
      %get3A_295 = tpu.vector_load %arg7[%get3A_293, %get3A_294] {strides = array<i32>} : memref<512x128xf32, #tpu.memory_space<vmem>>, vector<16xf32>,
      %add3A_296 = arith.addf %add3A_258, %get3A_295 : vector<16xf32>
      %get3A_297 = arith.index_cast %add3A_268 : i32 to index
      %get3A_298 = arith.constant 112 : index
      %get3A_299 = tpu.vector_load %arg7[%get3A_297, %get3A_298] {strides = array<i32>} : memref<512x128xf32, #tpu.memory_space<vmem>>, vector<16xf32>,
      %add3A_300 = arith.addf %add3A_262, %get3A_299 : vector<16xf32>
      %mul3A_301 = arith.constant 4 : i32
      %mul3A_302 = arith.muli %scan3A_217, %mul3A_301 : i32
      %add3A_303 = arith.constant 256 : i32
      %add3A_304 = arith.addi %add3A_303, %mul3A_302 : i32
      %add3A_305 = arith.constant 2 : i32
      %add3A_306 = arith.addi %add3A_304, %add3A_305 : i32
      %get3A_307 = arith.index_cast %add3A_306 : i32 to index
      %get3A_308 = arith.constant 0 : index
      %get3A_309 = tpu.vector_load %arg7[%get3A_307, %get3A_308] {strides = array<i32>} : memref<512x128xf32, #tpu.memory_space<vmem>>, vector<16xf32>,
      %add3A_310 = arith.addf %add3A_272, %get3A_309 : vector<16xf32>
      %get3A_311 = arith.index_cast %add3A_306 : i32 to index
      %get3A_312 = arith.constant 16 : index
      %get3A_313 = tpu.vector_load %arg7[%get3A_311, %get3A_312] {strides = array<i32>} : memref<512x128xf32, #tpu.memory_space<vmem>>, vector<16xf32>,
      %add3A_314 = arith.addf %add3A_276, %get3A_313 : vector<16xf32>
      %get3A_315 = arith.index_cast %add3A_306 : i32 to index
      %get3A_316 = arith.constant 32 : index
      %get3A_317 = tpu.vector_load %arg7[%get3A_315, %get3A_316] {strides = array<i32>} : memref<512x128xf32, #tpu.memory_space<vmem>>, vector<16xf32>,
      %add3A_318 = arith.addf %add3A_280, %get3A_317 : vector<16xf32>
      %get3A_319 = arith.index_cast %add3A_306 : i32 to index
      %get3A_320 = arith.constant 48 : index
      %get3A_321 = tpu.vector_load %arg7[%get3A_319, %get3A_320] {strides = array<i32>} : memref<512x128xf32, #tpu.memory_space<vmem>>, vector<16xf32>,
      %add3A_322 = arith.addf %add3A_284, %get3A_321 : vector<16xf32>
      %get3A_323 = arith.index_cast %add3A_306 : i32 to index
      %get3A_324 = arith.constant 64 : index
      %get3A_325 = tpu.vector_load %arg7[%get3A_323, %get3A_324] {strides = array<i32>} : memref<512x128xf32, #tpu.memory_space<vmem>>, vector<16xf32>,
      %add3A_326 = arith.addf %add3A_288, %get3A_325 : vector<16xf32>
      %get3A_327 = arith.index_cast %add3A_306 : i32 to index
      %get3A_328 = arith.constant 80 : index
      %get3A_329 = tpu.vector_load %arg7[%get3A_327, %get3A_328] {strides = array<i32>} : memref<512x128xf32, #tpu.memory_space<vmem>>, vector<16xf32>,
      %add3A_330 = arith.addf %add3A_292, %get3A_329 : vector<16xf32>
      %get3A_331 = arith.index_cast %add3A_306 : i32 to index
      %get3A_332 = arith.constant 96 : index
      %get3A_333 = tpu.vector_load %arg7[%get3A_331, %get3A_332] {strides = array<i32>} : memref<512x128xf32, #tpu.memory_space<vmem>>, vector<16xf32>,
      %add3A_334 = arith.addf %add3A_296, %get3A_333 : vector<16xf32>
      %get3A_335 = arith.index_cast %add3A_306 : i32 to index
      %get3A_336 = arith.constant 112 : index
      %get3A_337 = tpu.vector_load %arg7[%get3A_335, %get3A_336] {strides = array<i32>} : memref<512x128xf32, #tpu.memory_space<vmem>>, vector<16xf32>,
      %add3A_338 = arith.addf %add3A_300, %get3A_337 : vector<16xf32>
      %mul3A_339 = arith.constant 4 : i32
      %mul3A_340 = arith.muli %scan3A_217, %mul3A_339 : i32
      %add3A_341 = arith.constant 256 : i32
      %add3A_342 = arith.addi %add3A_341, %mul3A_340 : i32
      %add3A_343 = arith.constant 3 : i32
      %add3A_344 = arith.addi %add3A_342, %add3A_343 : i32
      %get3A_345 = arith.index_cast %add3A_344 : i32 to index
      %get3A_346 = arith.constant 0 : index
      %get3A_347 = tpu.vector_load %arg7[%get3A_345, %get3A_346] {strides = array<i32>} : memref<512x128xf32, #tpu.memory_space<vmem>>, vector<16xf32>,
      %add3A_348 = arith.addf %add3A_310, %get3A_347 : vector<16xf32>
      %get3A_349 = arith.index_cast %add3A_344 : i32 to index
      %get3A_350 = arith.constant 16 : index
      %get3A_351 = tpu.vector_load %arg7[%get3A_349, %get3A_350] {strides = array<i32>} : memref<512x128xf32, #tpu.memory_space<vmem>>, vector<16xf32>,
      %add3A_352 = arith.addf %add3A_314, %get3A_351 : vector<16xf32>
      %get3A_353 = arith.index_cast %add3A_344 : i32 to index
      %get3A_354 = arith.constant 32 : index
      %get3A_355 = tpu.vector_load %arg7[%get3A_353, %get3A_354] {strides = array<i32>} : memref<512x128xf32, #tpu.memory_space<vmem>>, vector<16xf32>,
      %add3A_356 = arith.addf %add3A_318, %get3A_355 : vector<16xf32>
      %get3A_357 = arith.index_cast %add3A_344 : i32 to index
      %get3A_358 = arith.constant 48 : index
      %get3A_359 = tpu.vector_load %arg7[%get3A_357, %get3A_358] {strides = array<i32>} : memref<512x128xf32, #tpu.memory_space<vmem>>, vector<16xf32>,
      %add3A_360 = arith.addf %add3A_322, %get3A_359 : vector<16xf32>
      %get3A_361 = arith.index_cast %add3A_344 : i32 to index
      %get3A_362 = arith.constant 64 : index
      %get3A_363 = tpu.vector_load %arg7[%get3A_361, %get3A_362] {strides = array<i32>} : memref<512x128xf32, #tpu.memory_space<vmem>>, vector<16xf32>,
      %add3A_364 = arith.addf %add3A_326, %get3A_363 : vector<16xf32>
      %get3A_365 = arith.index_cast %add3A_344 : i32 to index
      %get3A_366 = arith.constant 80 : index
      %get3A_367 = tpu.vector_load %arg7[%get3A_365, %get3A_366] {strides = array<i32>} : memref<512x128xf32, #tpu.memory_space<vmem>>, vector<16xf32>,
      %add3A_368 = arith.addf %add3A_330, %get3A_367 : vector<16xf32>
      %get3A_369 = arith.index_cast %add3A_344 : i32 to index
      %get3A_370 = arith.constant 96 : index
      %get3A_371 = tpu.vector_load %arg7[%get3A_369, %get3A_370] {strides = array<i32>} : memref<512x128xf32, #tpu.memory_space<vmem>>, vector<16xf32>,
      %add3A_372 = arith.addf %add3A_334, %get3A_371 : vector<16xf32>
      %get3A_373 = arith.index_cast %add3A_344 : i32 to index
      %get3A_374 = arith.constant 112 : index
      %get3A_375 = tpu.vector_load %arg7[%get3A_373, %get3A_374] {strides = array<i32>} : memref<512x128xf32, #tpu.memory_space<vmem>>, vector<16xf32>,
      %add3A_376 = arith.addf %add3A_338, %get3A_375 : vector<16xf32>
      scf.yield %add3A_348, %add3A_352, %add3A_356, %add3A_360, %add3A_364, %add3A_368, %add3A_372, %add3A_376 : vector<16xf32>, vector<16xf32>, vector<16xf32>, vector<16xf32>, vector<16xf32>, vector<16xf32>, vector<16xf32>, vector<16xf32>
    }
    %scan3A_182 = arith.constant 32 : i32
    %dma_wait3A_183 = arith.constant 384 : i32
    %dma_wait3A_184 = arith.constant 0 : i32
    %dma_wait3A_185 = tpu.memref_slice %arg7[%dma_wait3A_183, %dma_wait3A_184] : memref<512x128xf32, #tpu.memory_space<vmem>> -> memref<128x128xf32, #tpu.memory_space<vmem>>
    %dma_wait3A_186 = arith.constant 384 : i32
    %dma_wait3A_187 = tpu.memref_slice %arg6[%dma_wait3A_186] : memref<512xi32, #tpu.memory_space<vmem>> -> memref<128xi32, #tpu.memory_space<vmem>>
    %dma_wait3A_188 = arith.constant 0 : i32
    %dma_wait3A_189 = arith.constant 0 : i32
    %dma_wait3A_190 = tpu.memref_slice %arg4[%dma_wait3A_188, %dma_wait3A_189] : memref<100000x128xf32, #tpu.memory_space<hbm>> -> memref<100000x128xf32, #tpu.memory_space<hbm>>
    tpu.wait_indirect_dma semaphore(%arg14 : memref<!tpu.dma_semaphore, #tpu.memory_space<semaphore_mem>>) src(%dma_wait3A_190 : memref<100000x128xf32, #tpu.memory_space<hbm>>) dst(%dma_wait3A_185 : memref<128x128xf32, #tpu.memory_space<vmem>>)
    %scan3A_191 = arith.constant 0 : i32
    %scan3A_192 = arith.constant 32 : i32
    %scan3A_193 = arith.addi %scan3A_191, %scan3A_192 : i32
    %scan3A_194 = arith.constant 1 : i32
    %scan3A_195:8 = scf.for %scan3A_217 = %scan3A_191 to %scan3A_193 step %scan3A_194 iter_args(%scan3A_218 = %scan3A_181#0, %scan3A_219 = %scan3A_181#1, %scan3A_220 = %scan3A_181#2, %scan3A_221 = %scan3A_181#3, %scan3A_222 = %scan3A_181#4, %scan3A_223 = %scan3A_181#5, %scan3A_224 = %scan3A_181#6, %scan3A_225 = %scan3A_181#7) -> (vector<16xf32>, vector<16xf32>, vector<16xf32>, vector<16xf32>, vector<16xf32>, vector<16xf32>, vector<16xf32>, vector<16xf32>)  : i32 {
      %mul3A_226 = arith.constant 4 : i32
      %mul3A_227 = arith.muli %scan3A_217, %mul3A_226 : i32
      %add3A_228 = arith.constant 384 : i32
      %add3A_229 = arith.addi %add3A_228, %mul3A_227 : i32
      %add3A_230 = arith.constant 0 : i32
      %add3A_231 = arith.addi %add3A_229, %add3A_230 : i32
      %get3A = arith.index_cast %add3A_231 : i32 to index
      %get3A_232 = arith.constant 0 : index
      %get3A_233 = tpu.vector_load %arg7[%get3A, %get3A_232] {strides = array<i32>} : memref<512x128xf32, #tpu.memory_space<vmem>>, vector<16xf32>,
      %add3A_234 = arith.addf %scan3A_218, %get3A_233 : vector<16xf32>
      %get3A_235 = arith.index_cast %add3A_231 : i32 to index
      %get3A_236 = arith.constant 16 : index
      %get3A_237 = tpu.vector_load %arg7[%get3A_235, %get3A_236] {strides = array<i32>} : memref<512x128xf32, #tpu.memory_space<vmem>>, vector<16xf32>,
      %add3A_238 = arith.addf %scan3A_219, %get3A_237 : vector<16xf32>
      %get3A_239 = arith.index_cast %add3A_231 : i32 to index
      %get3A_240 = arith.constant 32 : index
      %get3A_241 = tpu.vector_load %arg7[%get3A_239, %get3A_240] {strides = array<i32>} : memref<512x128xf32, #tpu.memory_space<vmem>>, vector<16xf32>,
      %add3A_242 = arith.addf %scan3A_220, %get3A_241 : vector<16xf32>
      %get3A_243 = arith.index_cast %add3A_231 : i32 to index
      %get3A_244 = arith.constant 48 : index
      %get3A_245 = tpu.vector_load %arg7[%get3A_243, %get3A_244] {strides = array<i32>} : memref<512x128xf32, #tpu.memory_space<vmem>>, vector<16xf32>,
      %add3A_246 = arith.addf %scan3A_221, %get3A_245 : vector<16xf32>
      %get3A_247 = arith.index_cast %add3A_231 : i32 to index
      %get3A_248 = arith.constant 64 : index
      %get3A_249 = tpu.vector_load %arg7[%get3A_247, %get3A_248] {strides = array<i32>} : memref<512x128xf32, #tpu.memory_space<vmem>>, vector<16xf32>,
      %add3A_250 = arith.addf %scan3A_222, %get3A_249 : vector<16xf32>
      %get3A_251 = arith.index_cast %add3A_231 : i32 to index
      %get3A_252 = arith.constant 80 : index
      %get3A_253 = tpu.vector_load %arg7[%get3A_251, %get3A_252] {strides = array<i32>} : memref<512x128xf32, #tpu.memory_space<vmem>>, vector<16xf32>,
      %add3A_254 = arith.addf %scan3A_223, %get3A_253 : vector<16xf32>
      %get3A_255 = arith.index_cast %add3A_231 : i32 to index
      %get3A_256 = arith.constant 96 : index
      %get3A_257 = tpu.vector_load %arg7[%get3A_255, %get3A_256] {strides = array<i32>} : memref<512x128xf32, #tpu.memory_space<vmem>>, vector<16xf32>,
      %add3A_258 = arith.addf %scan3A_224, %get3A_257 : vector<16xf32>
      %get3A_259 = arith.index_cast %add3A_231 : i32 to index
      %get3A_260 = arith.constant 112 : index
      %get3A_261 = tpu.vector_load %arg7[%get3A_259, %get3A_260] {strides = array<i32>} : memref<512x128xf32, #tpu.memory_space<vmem>>, vector<16xf32>,
      %add3A_262 = arith.addf %scan3A_225, %get3A_261 : vector<16xf32>
      %mul3A_263 = arith.constant 4 : i32
      %mul3A_264 = arith.muli %scan3A_217, %mul3A_263 : i32
      %add3A_265 = arith.constant 384 : i32
      %add3A_266 = arith.addi %add3A_265, %mul3A_264 : i32
      %add3A_267 = arith.constant 1 : i32
      %add3A_268 = arith.addi %add3A_266, %add3A_267 : i32
      %get3A_269 = arith.index_cast %add3A_268 : i32 to index
      %get3A_270 = arith.constant 0 : index
      %get3A_271 = tpu.vector_load %arg7[%get3A_269, %get3A_270] {strides = array<i32>} : memref<512x128xf32, #tpu.memory_space<vmem>>, vector<16xf32>,
      %add3A_272 = arith.addf %add3A_234, %get3A_271 : vector<16xf32>
      %get3A_273 = arith.index_cast %add3A_268 : i32 to index
      %get3A_274 = arith.constant 16 : index
      %get3A_275 = tpu.vector_load %arg7[%get3A_273, %get3A_274] {strides = array<i32>} : memref<512x128xf32, #tpu.memory_space<vmem>>, vector<16xf32>,
      %add3A_276 = arith.addf %add3A_238, %get3A_275 : vector<16xf32>
      %get3A_277 = arith.index_cast %add3A_268 : i32 to index
      %get3A_278 = arith.constant 32 : index
      %get3A_279 = tpu.vector_load %arg7[%get3A_277, %get3A_278] {strides = array<i32>} : memref<512x128xf32, #tpu.memory_space<vmem>>, vector<16xf32>,
      %add3A_280 = arith.addf %add3A_242, %get3A_279 : vector<16xf32>
      %get3A_281 = arith.index_cast %add3A_268 : i32 to index
      %get3A_282 = arith.constant 48 : index
      %get3A_283 = tpu.vector_load %arg7[%get3A_281, %get3A_282] {strides = array<i32>} : memref<512x128xf32, #tpu.memory_space<vmem>>, vector<16xf32>,
      %add3A_284 = arith.addf %add3A_246, %get3A_283 : vector<16xf32>
      %get3A_285 = arith.index_cast %add3A_268 : i32 to index
      %get3A_286 = arith.constant 64 : index
      %get3A_287 = tpu.vector_load %arg7[%get3A_285, %get3A_286] {strides = array<i32>} : memref<512x128xf32, #tpu.memory_space<vmem>>, vector<16xf32>,
      %add3A_288 = arith.addf %add3A_250, %get3A_287 : vector<16xf32>
      %get3A_289 = arith.index_cast %add3A_268 : i32 to index
      %get3A_290 = arith.constant 80 : index
      %get3A_291 = tpu.vector_load %arg7[%get3A_289, %get3A_290] {strides = array<i32>} : memref<512x128xf32, #tpu.memory_space<vmem>>, vector<16xf32>,
      %add3A_292 = arith.addf %add3A_254, %get3A_291 : vector<16xf32>
      %get3A_293 = arith.index_cast %add3A_268 : i32 to index
      %get3A_294 = arith.constant 96 : index
      %get3A_295 = tpu.vector_load %arg7[%get3A_293, %get3A_294] {strides = array<i32>} : memref<512x128xf32, #tpu.memory_space<vmem>>, vector<16xf32>,
      %add3A_296 = arith.addf %add3A_258, %get3A_295 : vector<16xf32>
      %get3A_297 = arith.index_cast %add3A_268 : i32 to index
      %get3A_298 = arith.constant 112 : index
      %get3A_299 = tpu.vector_load %arg7[%get3A_297, %get3A_298] {strides = array<i32>} : memref<512x128xf32, #tpu.memory_space<vmem>>, vector<16xf32>,
      %add3A_300 = arith.addf %add3A_262, %get3A_299 : vector<16xf32>
      %mul3A_301 = arith.constant 4 : i32
      %mul3A_302 = arith.muli %scan3A_217, %mul3A_301 : i32
      %add3A_303 = arith.constant 384 : i32
      %add3A_304 = arith.addi %add3A_303, %mul3A_302 : i32
      %add3A_305 = arith.constant 2 : i32
      %add3A_306 = arith.addi %add3A_304, %add3A_305 : i32
      %get3A_307 = arith.index_cast %add3A_306 : i32 to index
      %get3A_308 = arith.constant 0 : index
      %get3A_309 = tpu.vector_load %arg7[%get3A_307, %get3A_308] {strides = array<i32>} : memref<512x128xf32, #tpu.memory_space<vmem>>, vector<16xf32>,
      %add3A_310 = arith.addf %add3A_272, %get3A_309 : vector<16xf32>
      %get3A_311 = arith.index_cast %add3A_306 : i32 to index
      %get3A_312 = arith.constant 16 : index
      %get3A_313 = tpu.vector_load %arg7[%get3A_311, %get3A_312] {strides = array<i32>} : memref<512x128xf32, #tpu.memory_space<vmem>>, vector<16xf32>,
      %add3A_314 = arith.addf %add3A_276, %get3A_313 : vector<16xf32>
      %get3A_315 = arith.index_cast %add3A_306 : i32 to index
      %get3A_316 = arith.constant 32 : index
      %get3A_317 = tpu.vector_load %arg7[%get3A_315, %get3A_316] {strides = array<i32>} : memref<512x128xf32, #tpu.memory_space<vmem>>, vector<16xf32>,
      %add3A_318 = arith.addf %add3A_280, %get3A_317 : vector<16xf32>
      %get3A_319 = arith.index_cast %add3A_306 : i32 to index
      %get3A_320 = arith.constant 48 : index
      %get3A_321 = tpu.vector_load %arg7[%get3A_319, %get3A_320] {strides = array<i32>} : memref<512x128xf32, #tpu.memory_space<vmem>>, vector<16xf32>,
      %add3A_322 = arith.addf %add3A_284, %get3A_321 : vector<16xf32>
      %get3A_323 = arith.index_cast %add3A_306 : i32 to index
      %get3A_324 = arith.constant 64 : index
      %get3A_325 = tpu.vector_load %arg7[%get3A_323, %get3A_324] {strides = array<i32>} : memref<512x128xf32, #tpu.memory_space<vmem>>, vector<16xf32>,
      %add3A_326 = arith.addf %add3A_288, %get3A_325 : vector<16xf32>
      %get3A_327 = arith.index_cast %add3A_306 : i32 to index
      %get3A_328 = arith.constant 80 : index
      %get3A_329 = tpu.vector_load %arg7[%get3A_327, %get3A_328] {strides = array<i32>} : memref<512x128xf32, #tpu.memory_space<vmem>>, vector<16xf32>,
      %add3A_330 = arith.addf %add3A_292, %get3A_329 : vector<16xf32>
      %get3A_331 = arith.index_cast %add3A_306 : i32 to index
      %get3A_332 = arith.constant 96 : index
      %get3A_333 = tpu.vector_load %arg7[%get3A_331, %get3A_332] {strides = array<i32>} : memref<512x128xf32, #tpu.memory_space<vmem>>, vector<16xf32>,
      %add3A_334 = arith.addf %add3A_296, %get3A_333 : vector<16xf32>
      %get3A_335 = arith.index_cast %add3A_306 : i32 to index
      %get3A_336 = arith.constant 112 : index
      %get3A_337 = tpu.vector_load %arg7[%get3A_335, %get3A_336] {strides = array<i32>} : memref<512x128xf32, #tpu.memory_space<vmem>>, vector<16xf32>,
      %add3A_338 = arith.addf %add3A_300, %get3A_337 : vector<16xf32>
      %mul3A_339 = arith.constant 4 : i32
      %mul3A_340 = arith.muli %scan3A_217, %mul3A_339 : i32
      %add3A_341 = arith.constant 384 : i32
      %add3A_342 = arith.addi %add3A_341, %mul3A_340 : i32
      %add3A_343 = arith.constant 3 : i32
      %add3A_344 = arith.addi %add3A_342, %add3A_343 : i32
      %get3A_345 = arith.index_cast %add3A_344 : i32 to index
      %get3A_346 = arith.constant 0 : index
      %get3A_347 = tpu.vector_load %arg7[%get3A_345, %get3A_346] {strides = array<i32>} : memref<512x128xf32, #tpu.memory_space<vmem>>, vector<16xf32>,
      %add3A_348 = arith.addf %add3A_310, %get3A_347 : vector<16xf32>
      %get3A_349 = arith.index_cast %add3A_344 : i32 to index
      %get3A_350 = arith.constant 16 : index
      %get3A_351 = tpu.vector_load %arg7[%get3A_349, %get3A_350] {strides = array<i32>} : memref<512x128xf32, #tpu.memory_space<vmem>>, vector<16xf32>,
      %add3A_352 = arith.addf %add3A_314, %get3A_351 : vector<16xf32>
      %get3A_353 = arith.index_cast %add3A_344 : i32 to index
      %get3A_354 = arith.constant 32 : index
      %get3A_355 = tpu.vector_load %arg7[%get3A_353, %get3A_354] {strides = array<i32>} : memref<512x128xf32, #tpu.memory_space<vmem>>, vector<16xf32>,
      %add3A_356 = arith.addf %add3A_318, %get3A_355 : vector<16xf32>
      %get3A_357 = arith.index_cast %add3A_344 : i32 to index
      %get3A_358 = arith.constant 48 : index
      %get3A_359 = tpu.vector_load %arg7[%get3A_357, %get3A_358] {strides = array<i32>} : memref<512x128xf32, #tpu.memory_space<vmem>>, vector<16xf32>,
      %add3A_360 = arith.addf %add3A_322, %get3A_359 : vector<16xf32>
      %get3A_361 = arith.index_cast %add3A_344 : i32 to index
      %get3A_362 = arith.constant 64 : index
      %get3A_363 = tpu.vector_load %arg7[%get3A_361, %get3A_362] {strides = array<i32>} : memref<512x128xf32, #tpu.memory_space<vmem>>, vector<16xf32>,
      %add3A_364 = arith.addf %add3A_326, %get3A_363 : vector<16xf32>
      %get3A_365 = arith.index_cast %add3A_344 : i32 to index
      %get3A_366 = arith.constant 80 : index
      %get3A_367 = tpu.vector_load %arg7[%get3A_365, %get3A_366] {strides = array<i32>} : memref<512x128xf32, #tpu.memory_space<vmem>>, vector<16xf32>,
      %add3A_368 = arith.addf %add3A_330, %get3A_367 : vector<16xf32>
      %get3A_369 = arith.index_cast %add3A_344 : i32 to index
      %get3A_370 = arith.constant 96 : index
      %get3A_371 = tpu.vector_load %arg7[%get3A_369, %get3A_370] {strides = array<i32>} : memref<512x128xf32, #tpu.memory_space<vmem>>, vector<16xf32>,
      %add3A_372 = arith.addf %add3A_334, %get3A_371 : vector<16xf32>
      %get3A_373 = arith.index_cast %add3A_344 : i32 to index
      %get3A_374 = arith.constant 112 : index
      %get3A_375 = tpu.vector_load %arg7[%get3A_373, %get3A_374] {strides = array<i32>} : memref<512x128xf32, #tpu.memory_space<vmem>>, vector<16xf32>,
      %add3A_376 = arith.addf %add3A_338, %get3A_375 : vector<16xf32>
      scf.yield %add3A_348, %add3A_352, %add3A_356, %add3A_360, %add3A_364, %add3A_368, %add3A_372, %add3A_376 : vector<16xf32>, vector<16xf32>, vector<16xf32>, vector<16xf32>, vector<16xf32>, vector<16xf32>, vector<16xf32>, vector<16xf32>
    }
    %scan3A_196 = arith.constant 32 : i32
    %swap3A = arith.constant 0 : index
    %swap3A_197 = tpu.vector_load %arg10[%swap3A] {strides = array<i32>} : memref<128xf32, #tpu.memory_space<vmem>>, vector<16xf32>,
    tpu.vector_store %arg10[%swap3A], %scan3A_195#0 {strides = array<i32>} : memref<128xf32, #tpu.memory_space<vmem>>, vector<16xf32>,
    %swap3A_198 = arith.constant 16 : index
    %swap3A_199 = tpu.vector_load %arg10[%swap3A_198] {strides = array<i32>} : memref<128xf32, #tpu.memory_space<vmem>>, vector<16xf32>,
    tpu.vector_store %arg10[%swap3A_198], %scan3A_195#1 {strides = array<i32>} : memref<128xf32, #tpu.memory_space<vmem>>, vector<16xf32>,
    %swap3A_200 = arith.constant 32 : index
    %swap3A_201 = tpu.vector_load %arg10[%swap3A_200] {strides = array<i32>} : memref<128xf32, #tpu.memory_space<vmem>>, vector<16xf32>,
    tpu.vector_store %arg10[%swap3A_200], %scan3A_195#2 {strides = array<i32>} : memref<128xf32, #tpu.memory_space<vmem>>, vector<16xf32>,
    %swap3A_202 = arith.constant 48 : index
    %swap3A_203 = tpu.vector_load %arg10[%swap3A_202] {strides = array<i32>} : memref<128xf32, #tpu.memory_space<vmem>>, vector<16xf32>,
    tpu.vector_store %arg10[%swap3A_202], %scan3A_195#3 {strides = array<i32>} : memref<128xf32, #tpu.memory_space<vmem>>, vector<16xf32>,
    %swap3A_204 = arith.constant 64 : index
    %swap3A_205 = tpu.vector_load %arg10[%swap3A_204] {strides = array<i32>} : memref<128xf32, #tpu.memory_space<vmem>>, vector<16xf32>,
    tpu.vector_store %arg10[%swap3A_204], %scan3A_195#4 {strides = array<i32>} : memref<128xf32, #tpu.memory_space<vmem>>, vector<16xf32>,
    %swap3A_206 = arith.constant 80 : index
    %swap3A_207 = tpu.vector_load %arg10[%swap3A_206] {strides = array<i32>} : memref<128xf32, #tpu.memory_space<vmem>>, vector<16xf32>,
    tpu.vector_store %arg10[%swap3A_206], %scan3A_195#5 {strides = array<i32>} : memref<128xf32, #tpu.memory_space<vmem>>, vector<16xf32>,
    %swap3A_208 = arith.constant 96 : index
    %swap3A_209 = tpu.vector_load %arg10[%swap3A_208] {strides = array<i32>} : memref<128xf32, #tpu.memory_space<vmem>>, vector<16xf32>,
    tpu.vector_store %arg10[%swap3A_208], %scan3A_195#6 {strides = array<i32>} : memref<128xf32, #tpu.memory_space<vmem>>, vector<16xf32>,
    %swap3A_210 = arith.constant 112 : index
    %swap3A_211 = tpu.vector_load %arg10[%swap3A_210] {strides = array<i32>} : memref<128xf32, #tpu.memory_space<vmem>>, vector<16xf32>,
    tpu.vector_store %arg10[%swap3A_210], %scan3A_195#7 {strides = array<i32>} : memref<128xf32, #tpu.memory_space<vmem>>, vector<16xf32>,
    "tpu.region"() ({
      %run_scoped3A = tpu.sem_alloc : memref<!tpu.dma_semaphore, #tpu.memory_space<semaphore_mem>>
      %dma_start3A_217 = arith.constant 0 : i32
      %dma_start3A_218 = tpu.memref_slice %arg12[%arg1, %dma_start3A_217] : memref<16x128xf32, #tpu.memory_space<vmem_shared>> -> memref<1x128xf32, #tpu.memory_space<vmem_shared>>
      %dma_start3A_219 = tpu.memref_squeeze %dma_start3A_218 : memref<1x128xf32, #tpu.memory_space<vmem_shared>> -> memref<128xf32, #tpu.memory_space<vmem_shared>>
      %dma_start3A_220 = arith.constant 0 : i32
      %dma_start3A_221 = tpu.memref_slice %arg12[%arg1, %dma_start3A_220] : memref<16x128xf32, #tpu.memory_space<vmem_shared>> -> memref<1x128xf32, #tpu.memory_space<vmem_shared>>
      %dma_start3A_222 = tpu.memref_squeeze %dma_start3A_221 : memref<1x128xf32, #tpu.memory_space<vmem_shared>> -> memref<128xf32, #tpu.memory_space<vmem_shared>>
      tpu.enqueue_dma source(%arg10 : memref<128xf32, #tpu.memory_space<vmem>>) target(%dma_start3A_222 : memref<128xf32, #tpu.memory_space<vmem_shared>>) target_semaphore(%run_scoped3A : memref<!tpu.dma_semaphore, #tpu.memory_space<semaphore_mem>>)
      %dma_wait3A_223 = arith.constant 0 : i32
      %dma_wait3A_224 = tpu.memref_slice %arg12[%arg1, %dma_wait3A_223] : memref<16x128xf32, #tpu.memory_space<vmem_shared>> -> memref<1x128xf32, #tpu.memory_space<vmem_shared>>
      %dma_wait3A_225 = tpu.memref_squeeze %dma_wait3A_224 : memref<1x128xf32, #tpu.memory_space<vmem_shared>> -> memref<128xf32, #tpu.memory_space<vmem_shared>>
      %dma_wait3A_226 = arith.constant 0 : i32
      %dma_wait3A_227 = tpu.memref_slice %arg12[%arg1, %dma_wait3A_226] : memref<16x128xf32, #tpu.memory_space<vmem_shared>> -> memref<1x128xf32, #tpu.memory_space<vmem_shared>>
      %dma_wait3A_228 = tpu.memref_squeeze %dma_wait3A_227 : memref<1x128xf32, #tpu.memory_space<vmem_shared>> -> memref<128xf32, #tpu.memory_space<vmem_shared>>
      tpu.wait_dma2 semaphore(%run_scoped3A : memref<!tpu.dma_semaphore, #tpu.memory_space<semaphore_mem>>) src(%arg10 : memref<128xf32, #tpu.memory_space<vmem>>) dst(%dma_wait3A_228 : memref<128xf32, #tpu.memory_space<vmem_shared>>)
      tpu.yield
    }) : () -> ()
    %barrier3A = arith.constant 0 : index
    tpu.barrier barrier_id(%barrier3A)
    %eq3A_212 = arith.constant 0 : i32
    %eq3A_213 = arith.cmpi eq, %arg1, %eq3A_212 : i32
    %convert_element_type3A_214 = arith.extui %eq3A_213 : i1 to i32
    %cond3A_215 = arith.constant 0 : i32
    %cond3A_216 = arith.cmpi ne, %convert_element_type3A_214, %cond3A_215 : i32
    scf.if %cond3A_216 {
      "tpu.region"() ({
        %run_scoped3A = tpu.sem_alloc : memref<!tpu.dma_semaphore, #tpu.memory_space<semaphore_mem>>
        tpu.enqueue_dma source(%arg12 : memref<16x128xf32, #tpu.memory_space<vmem_shared>>) target(%arg8 : memref<16x128xf32, #tpu.memory_space<vmem>>) target_semaphore(%run_scoped3A : memref<!tpu.dma_semaphore, #tpu.memory_space<semaphore_mem>>)
        tpu.wait_dma2 semaphore(%run_scoped3A : memref<!tpu.dma_semaphore, #tpu.memory_space<semaphore_mem>>) src(%arg12 : memref<16x128xf32, #tpu.memory_space<vmem_shared>>) dst(%arg8 : memref<16x128xf32, #tpu.memory_space<vmem>>)
        tpu.yield
      }) : () -> ()
      tpu.wait_dma2 semaphore(%arg15 : memref<!tpu.dma_semaphore, #tpu.memory_space<semaphore_mem>>) src(%arg3 : memref<128xi32, #tpu.memory_space<hbm>>) dst(%arg9 : memref<128xi32, #tpu.memory_space<vmem>>)
      %get3A = arith.constant 0 : i32
      %get3A_217 = arith.index_cast %get3A : i32 to index
      %get3A_218 = arith.constant 0 : index
      %get3A_219 = tpu.vector_load %arg8[%get3A_217, %get3A_218] {strides = array<i32>} : memref<16x128xf32, #tpu.memory_space<vmem>>, vector<16xf32>,
      %get3A_220 = arith.constant 1 : i32
      %get3A_221 = arith.index_cast %get3A_220 : i32 to index
      %get3A_222 = arith.constant 0 : index
      %get3A_223 = tpu.vector_load %arg8[%get3A_221, %get3A_222] {strides = array<i32>} : memref<16x128xf32, #tpu.memory_space<vmem>>, vector<16xf32>,
      %add3A_224 = arith.addf %get3A_219, %get3A_223 : vector<16xf32>
      %get3A_225 = arith.constant 2 : i32
      %get3A_226 = arith.index_cast %get3A_225 : i32 to index
      %get3A_227 = arith.constant 0 : index
      %get3A_228 = tpu.vector_load %arg8[%get3A_226, %get3A_227] {strides = array<i32>} : memref<16x128xf32, #tpu.memory_space<vmem>>, vector<16xf32>,
      %add3A_229 = arith.addf %add3A_224, %get3A_228 : vector<16xf32>
      %get3A_230 = arith.constant 3 : i32
      %get3A_231 = arith.index_cast %get3A_230 : i32 to index
      %get3A_232 = arith.constant 0 : index
      %get3A_233 = tpu.vector_load %arg8[%get3A_231, %get3A_232] {strides = array<i32>} : memref<16x128xf32, #tpu.memory_space<vmem>>, vector<16xf32>,
      %add3A_234 = arith.addf %add3A_229, %get3A_233 : vector<16xf32>
      %get3A_235 = arith.constant 4 : i32
      %get3A_236 = arith.index_cast %get3A_235 : i32 to index
      %get3A_237 = arith.constant 0 : index
      %get3A_238 = tpu.vector_load %arg8[%get3A_236, %get3A_237] {strides = array<i32>} : memref<16x128xf32, #tpu.memory_space<vmem>>, vector<16xf32>,
      %add3A_239 = arith.addf %add3A_234, %get3A_238 : vector<16xf32>
      %get3A_240 = arith.constant 5 : i32
      %get3A_241 = arith.index_cast %get3A_240 : i32 to index
      %get3A_242 = arith.constant 0 : index
      %get3A_243 = tpu.vector_load %arg8[%get3A_241, %get3A_242] {strides = array<i32>} : memref<16x128xf32, #tpu.memory_space<vmem>>, vector<16xf32>,
      %add3A_244 = arith.addf %add3A_239, %get3A_243 : vector<16xf32>
      %get3A_245 = arith.constant 6 : i32
      %get3A_246 = arith.index_cast %get3A_245 : i32 to index
      %get3A_247 = arith.constant 0 : index
      %get3A_248 = tpu.vector_load %arg8[%get3A_246, %get3A_247] {strides = array<i32>} : memref<16x128xf32, #tpu.memory_space<vmem>>, vector<16xf32>,
      %add3A_249 = arith.addf %add3A_244, %get3A_248 : vector<16xf32>
      %get3A_250 = arith.constant 7 : i32
      %get3A_251 = arith.index_cast %get3A_250 : i32 to index
      %get3A_252 = arith.constant 0 : index
      %get3A_253 = tpu.vector_load %arg8[%get3A_251, %get3A_252] {strides = array<i32>} : memref<16x128xf32, #tpu.memory_space<vmem>>, vector<16xf32>,
      %add3A_254 = arith.addf %add3A_249, %get3A_253 : vector<16xf32>
      %get3A_255 = arith.constant 8 : i32
      %get3A_256 = arith.index_cast %get3A_255 : i32 to index
      %get3A_257 = arith.constant 0 : index
      %get3A_258 = tpu.vector_load %arg8[%get3A_256, %get3A_257] {strides = array<i32>} : memref<16x128xf32, #tpu.memory_space<vmem>>, vector<16xf32>,
      %add3A_259 = arith.addf %add3A_254, %get3A_258 : vector<16xf32>
      %get3A_260 = arith.constant 9 : i32
      %get3A_261 = arith.index_cast %get3A_260 : i32 to index
      %get3A_262 = arith.constant 0 : index
      %get3A_263 = tpu.vector_load %arg8[%get3A_261, %get3A_262] {strides = array<i32>} : memref<16x128xf32, #tpu.memory_space<vmem>>, vector<16xf32>,
      %add3A_264 = arith.addf %add3A_259, %get3A_263 : vector<16xf32>
      %get3A_265 = arith.constant 10 : i32
      %get3A_266 = arith.index_cast %get3A_265 : i32 to index
      %get3A_267 = arith.constant 0 : index
      %get3A_268 = tpu.vector_load %arg8[%get3A_266, %get3A_267] {strides = array<i32>} : memref<16x128xf32, #tpu.memory_space<vmem>>, vector<16xf32>,
      %add3A_269 = arith.addf %add3A_264, %get3A_268 : vector<16xf32>
      %get3A_270 = arith.constant 11 : i32
      %get3A_271 = arith.index_cast %get3A_270 : i32 to index
      %get3A_272 = arith.constant 0 : index
      %get3A_273 = tpu.vector_load %arg8[%get3A_271, %get3A_272] {strides = array<i32>} : memref<16x128xf32, #tpu.memory_space<vmem>>, vector<16xf32>,
      %add3A_274 = arith.addf %add3A_269, %get3A_273 : vector<16xf32>
      %get3A_275 = arith.constant 12 : i32
      %get3A_276 = arith.index_cast %get3A_275 : i32 to index
      %get3A_277 = arith.constant 0 : index
      %get3A_278 = tpu.vector_load %arg8[%get3A_276, %get3A_277] {strides = array<i32>} : memref<16x128xf32, #tpu.memory_space<vmem>>, vector<16xf32>,
      %add3A_279 = arith.addf %add3A_274, %get3A_278 : vector<16xf32>
      %get3A_280 = arith.constant 13 : i32
      %get3A_281 = arith.index_cast %get3A_280 : i32 to index
      %get3A_282 = arith.constant 0 : index
      %get3A_283 = tpu.vector_load %arg8[%get3A_281, %get3A_282] {strides = array<i32>} : memref<16x128xf32, #tpu.memory_space<vmem>>, vector<16xf32>,
      %add3A_284 = arith.addf %add3A_279, %get3A_283 : vector<16xf32>
      %get3A_285 = arith.constant 14 : i32
      %get3A_286 = arith.index_cast %get3A_285 : i32 to index
      %get3A_287 = arith.constant 0 : index
      %get3A_288 = tpu.vector_load %arg8[%get3A_286, %get3A_287] {strides = array<i32>} : memref<16x128xf32, #tpu.memory_space<vmem>>, vector<16xf32>,
      %add3A_289 = arith.addf %add3A_284, %get3A_288 : vector<16xf32>
      %get3A_290 = arith.constant 15 : i32
      %get3A_291 = arith.index_cast %get3A_290 : i32 to index
      %get3A_292 = arith.constant 0 : index
      %get3A_293 = tpu.vector_load %arg8[%get3A_291, %get3A_292] {strides = array<i32>} : memref<16x128xf32, #tpu.memory_space<vmem>>, vector<16xf32>,
      %add3A_294 = arith.addf %add3A_289, %get3A_293 : vector<16xf32>
      %swap3A_295 = arith.constant 0 : index
      %swap3A_296 = tpu.vector_load %arg10[%swap3A_295] {strides = array<i32>} : memref<128xf32, #tpu.memory_space<vmem>>, vector<16xf32>,
      tpu.vector_store %arg10[%swap3A_295], %add3A_294 {strides = array<i32>} : memref<128xf32, #tpu.memory_space<vmem>>, vector<16xf32>,
      %get3A_297 = arith.constant 0 : i32
      %get3A_298 = arith.index_cast %get3A_297 : i32 to index
      %get3A_299 = arith.constant 16 : index
      %get3A_300 = tpu.vector_load %arg8[%get3A_298, %get3A_299] {strides = array<i32>} : memref<16x128xf32, #tpu.memory_space<vmem>>, vector<16xf32>,
      %get3A_301 = arith.constant 1 : i32
      %get3A_302 = arith.index_cast %get3A_301 : i32 to index
      %get3A_303 = arith.constant 16 : index
      %get3A_304 = tpu.vector_load %arg8[%get3A_302, %get3A_303] {strides = array<i32>} : memref<16x128xf32, #tpu.memory_space<vmem>>, vector<16xf32>,
      %add3A_305 = arith.addf %get3A_300, %get3A_304 : vector<16xf32>
      %get3A_306 = arith.constant 2 : i32
      %get3A_307 = arith.index_cast %get3A_306 : i32 to index
      %get3A_308 = arith.constant 16 : index
      %get3A_309 = tpu.vector_load %arg8[%get3A_307, %get3A_308] {strides = array<i32>} : memref<16x128xf32, #tpu.memory_space<vmem>>, vector<16xf32>,
      %add3A_310 = arith.addf %add3A_305, %get3A_309 : vector<16xf32>
      %get3A_311 = arith.constant 3 : i32
      %get3A_312 = arith.index_cast %get3A_311 : i32 to index
      %get3A_313 = arith.constant 16 : index
      %get3A_314 = tpu.vector_load %arg8[%get3A_312, %get3A_313] {strides = array<i32>} : memref<16x128xf32, #tpu.memory_space<vmem>>, vector<16xf32>,
      %add3A_315 = arith.addf %add3A_310, %get3A_314 : vector<16xf32>
      %get3A_316 = arith.constant 4 : i32
      %get3A_317 = arith.index_cast %get3A_316 : i32 to index
      %get3A_318 = arith.constant 16 : index
      %get3A_319 = tpu.vector_load %arg8[%get3A_317, %get3A_318] {strides = array<i32>} : memref<16x128xf32, #tpu.memory_space<vmem>>, vector<16xf32>,
      %add3A_320 = arith.addf %add3A_315, %get3A_319 : vector<16xf32>
      %get3A_321 = arith.constant 5 : i32
      %get3A_322 = arith.index_cast %get3A_321 : i32 to index
      %get3A_323 = arith.constant 16 : index
      %get3A_324 = tpu.vector_load %arg8[%get3A_322, %get3A_323] {strides = array<i32>} : memref<16x128xf32, #tpu.memory_space<vmem>>, vector<16xf32>,
      %add3A_325 = arith.addf %add3A_320, %get3A_324 : vector<16xf32>
      %get3A_326 = arith.constant 6 : i32
      %get3A_327 = arith.index_cast %get3A_326 : i32 to index
      %get3A_328 = arith.constant 16 : index
      %get3A_329 = tpu.vector_load %arg8[%get3A_327, %get3A_328] {strides = array<i32>} : memref<16x128xf32, #tpu.memory_space<vmem>>, vector<16xf32>,
      %add3A_330 = arith.addf %add3A_325, %get3A_329 : vector<16xf32>
      %get3A_331 = arith.constant 7 : i32
      %get3A_332 = arith.index_cast %get3A_331 : i32 to index
      %get3A_333 = arith.constant 16 : index
      %get3A_334 = tpu.vector_load %arg8[%get3A_332, %get3A_333] {strides = array<i32>} : memref<16x128xf32, #tpu.memory_space<vmem>>, vector<16xf32>,
      %add3A_335 = arith.addf %add3A_330, %get3A_334 : vector<16xf32>
      %get3A_336 = arith.constant 8 : i32
      %get3A_337 = arith.index_cast %get3A_336 : i32 to index
      %get3A_338 = arith.constant 16 : index
      %get3A_339 = tpu.vector_load %arg8[%get3A_337, %get3A_338] {strides = array<i32>} : memref<16x128xf32, #tpu.memory_space<vmem>>, vector<16xf32>,
      %add3A_340 = arith.addf %add3A_335, %get3A_339 : vector<16xf32>
      %get3A_341 = arith.constant 9 : i32
      %get3A_342 = arith.index_cast %get3A_341 : i32 to index
      %get3A_343 = arith.constant 16 : index
      %get3A_344 = tpu.vector_load %arg8[%get3A_342, %get3A_343] {strides = array<i32>} : memref<16x128xf32, #tpu.memory_space<vmem>>, vector<16xf32>,
      %add3A_345 = arith.addf %add3A_340, %get3A_344 : vector<16xf32>
      %get3A_346 = arith.constant 10 : i32
      %get3A_347 = arith.index_cast %get3A_346 : i32 to index
      %get3A_348 = arith.constant 16 : index
      %get3A_349 = tpu.vector_load %arg8[%get3A_347, %get3A_348] {strides = array<i32>} : memref<16x128xf32, #tpu.memory_space<vmem>>, vector<16xf32>,
      %add3A_350 = arith.addf %add3A_345, %get3A_349 : vector<16xf32>
      %get3A_351 = arith.constant 11 : i32
      %get3A_352 = arith.index_cast %get3A_351 : i32 to index
      %get3A_353 = arith.constant 16 : index
      %get3A_354 = tpu.vector_load %arg8[%get3A_352, %get3A_353] {strides = array<i32>} : memref<16x128xf32, #tpu.memory_space<vmem>>, vector<16xf32>,
      %add3A_355 = arith.addf %add3A_350, %get3A_354 : vector<16xf32>
      %get3A_356 = arith.constant 12 : i32
      %get3A_357 = arith.index_cast %get3A_356 : i32 to index
      %get3A_358 = arith.constant 16 : index
      %get3A_359 = tpu.vector_load %arg8[%get3A_357, %get3A_358] {strides = array<i32>} : memref<16x128xf32, #tpu.memory_space<vmem>>, vector<16xf32>,
      %add3A_360 = arith.addf %add3A_355, %get3A_359 : vector<16xf32>
      %get3A_361 = arith.constant 13 : i32
      %get3A_362 = arith.index_cast %get3A_361 : i32 to index
      %get3A_363 = arith.constant 16 : index
      %get3A_364 = tpu.vector_load %arg8[%get3A_362, %get3A_363] {strides = array<i32>} : memref<16x128xf32, #tpu.memory_space<vmem>>, vector<16xf32>,
      %add3A_365 = arith.addf %add3A_360, %get3A_364 : vector<16xf32>
      %get3A_366 = arith.constant 14 : i32
      %get3A_367 = arith.index_cast %get3A_366 : i32 to index
      %get3A_368 = arith.constant 16 : index
      %get3A_369 = tpu.vector_load %arg8[%get3A_367, %get3A_368] {strides = array<i32>} : memref<16x128xf32, #tpu.memory_space<vmem>>, vector<16xf32>,
      %add3A_370 = arith.addf %add3A_365, %get3A_369 : vector<16xf32>
      %get3A_371 = arith.constant 15 : i32
      %get3A_372 = arith.index_cast %get3A_371 : i32 to index
      %get3A_373 = arith.constant 16 : index
      %get3A_374 = tpu.vector_load %arg8[%get3A_372, %get3A_373] {strides = array<i32>} : memref<16x128xf32, #tpu.memory_space<vmem>>, vector<16xf32>,
      %add3A_375 = arith.addf %add3A_370, %get3A_374 : vector<16xf32>
      %swap3A_376 = arith.constant 16 : index
      %swap3A_377 = tpu.vector_load %arg10[%swap3A_376] {strides = array<i32>} : memref<128xf32, #tpu.memory_space<vmem>>, vector<16xf32>,
      tpu.vector_store %arg10[%swap3A_376], %add3A_375 {strides = array<i32>} : memref<128xf32, #tpu.memory_space<vmem>>, vector<16xf32>,
      %get3A_378 = arith.constant 0 : i32
      %get3A_379 = arith.index_cast %get3A_378 : i32 to index
      %get3A_380 = arith.constant 32 : index
      %get3A_381 = tpu.vector_load %arg8[%get3A_379, %get3A_380] {strides = array<i32>} : memref<16x128xf32, #tpu.memory_space<vmem>>, vector<16xf32>,
      %get3A_382 = arith.constant 1 : i32
      %get3A_383 = arith.index_cast %get3A_382 : i32 to index
      %get3A_384 = arith.constant 32 : index
      %get3A_385 = tpu.vector_load %arg8[%get3A_383, %get3A_384] {strides = array<i32>} : memref<16x128xf32, #tpu.memory_space<vmem>>, vector<16xf32>,
      %add3A_386 = arith.addf %get3A_381, %get3A_385 : vector<16xf32>
      %get3A_387 = arith.constant 2 : i32
      %get3A_388 = arith.index_cast %get3A_387 : i32 to index
      %get3A_389 = arith.constant 32 : index
      %get3A_390 = tpu.vector_load %arg8[%get3A_388, %get3A_389] {strides = array<i32>} : memref<16x128xf32, #tpu.memory_space<vmem>>, vector<16xf32>,
      %add3A_391 = arith.addf %add3A_386, %get3A_390 : vector<16xf32>
      %get3A_392 = arith.constant 3 : i32
      %get3A_393 = arith.index_cast %get3A_392 : i32 to index
      %get3A_394 = arith.constant 32 : index
      %get3A_395 = tpu.vector_load %arg8[%get3A_393, %get3A_394] {strides = array<i32>} : memref<16x128xf32, #tpu.memory_space<vmem>>, vector<16xf32>,
      %add3A_396 = arith.addf %add3A_391, %get3A_395 : vector<16xf32>
      %get3A_397 = arith.constant 4 : i32
      %get3A_398 = arith.index_cast %get3A_397 : i32 to index
      %get3A_399 = arith.constant 32 : index
      %get3A_400 = tpu.vector_load %arg8[%get3A_398, %get3A_399] {strides = array<i32>} : memref<16x128xf32, #tpu.memory_space<vmem>>, vector<16xf32>,
      %add3A_401 = arith.addf %add3A_396, %get3A_400 : vector<16xf32>
      %get3A_402 = arith.constant 5 : i32
      %get3A_403 = arith.index_cast %get3A_402 : i32 to index
      %get3A_404 = arith.constant 32 : index
      %get3A_405 = tpu.vector_load %arg8[%get3A_403, %get3A_404] {strides = array<i32>} : memref<16x128xf32, #tpu.memory_space<vmem>>, vector<16xf32>,
      %add3A_406 = arith.addf %add3A_401, %get3A_405 : vector<16xf32>
      %get3A_407 = arith.constant 6 : i32
      %get3A_408 = arith.index_cast %get3A_407 : i32 to index
      %get3A_409 = arith.constant 32 : index
      %get3A_410 = tpu.vector_load %arg8[%get3A_408, %get3A_409] {strides = array<i32>} : memref<16x128xf32, #tpu.memory_space<vmem>>, vector<16xf32>,
      %add3A_411 = arith.addf %add3A_406, %get3A_410 : vector<16xf32>
      %get3A_412 = arith.constant 7 : i32
      %get3A_413 = arith.index_cast %get3A_412 : i32 to index
      %get3A_414 = arith.constant 32 : index
      %get3A_415 = tpu.vector_load %arg8[%get3A_413, %get3A_414] {strides = array<i32>} : memref<16x128xf32, #tpu.memory_space<vmem>>, vector<16xf32>,
      %add3A_416 = arith.addf %add3A_411, %get3A_415 : vector<16xf32>
      %get3A_417 = arith.constant 8 : i32
      %get3A_418 = arith.index_cast %get3A_417 : i32 to index
      %get3A_419 = arith.constant 32 : index
      %get3A_420 = tpu.vector_load %arg8[%get3A_418, %get3A_419] {strides = array<i32>} : memref<16x128xf32, #tpu.memory_space<vmem>>, vector<16xf32>,
      %add3A_421 = arith.addf %add3A_416, %get3A_420 : vector<16xf32>
      %get3A_422 = arith.constant 9 : i32
      %get3A_423 = arith.index_cast %get3A_422 : i32 to index
      %get3A_424 = arith.constant 32 : index
      %get3A_425 = tpu.vector_load %arg8[%get3A_423, %get3A_424] {strides = array<i32>} : memref<16x128xf32, #tpu.memory_space<vmem>>, vector<16xf32>,
      %add3A_426 = arith.addf %add3A_421, %get3A_425 : vector<16xf32>
      %get3A_427 = arith.constant 10 : i32
      %get3A_428 = arith.index_cast %get3A_427 : i32 to index
      %get3A_429 = arith.constant 32 : index
      %get3A_430 = tpu.vector_load %arg8[%get3A_428, %get3A_429] {strides = array<i32>} : memref<16x128xf32, #tpu.memory_space<vmem>>, vector<16xf32>,
      %add3A_431 = arith.addf %add3A_426, %get3A_430 : vector<16xf32>
      %get3A_432 = arith.constant 11 : i32
      %get3A_433 = arith.index_cast %get3A_432 : i32 to index
      %get3A_434 = arith.constant 32 : index
      %get3A_435 = tpu.vector_load %arg8[%get3A_433, %get3A_434] {strides = array<i32>} : memref<16x128xf32, #tpu.memory_space<vmem>>, vector<16xf32>,
      %add3A_436 = arith.addf %add3A_431, %get3A_435 : vector<16xf32>
      %get3A_437 = arith.constant 12 : i32
      %get3A_438 = arith.index_cast %get3A_437 : i32 to index
      %get3A_439 = arith.constant 32 : index
      %get3A_440 = tpu.vector_load %arg8[%get3A_438, %get3A_439] {strides = array<i32>} : memref<16x128xf32, #tpu.memory_space<vmem>>, vector<16xf32>,
      %add3A_441 = arith.addf %add3A_436, %get3A_440 : vector<16xf32>
      %get3A_442 = arith.constant 13 : i32
      %get3A_443 = arith.index_cast %get3A_442 : i32 to index
      %get3A_444 = arith.constant 32 : index
      %get3A_445 = tpu.vector_load %arg8[%get3A_443, %get3A_444] {strides = array<i32>} : memref<16x128xf32, #tpu.memory_space<vmem>>, vector<16xf32>,
      %add3A_446 = arith.addf %add3A_441, %get3A_445 : vector<16xf32>
      %get3A_447 = arith.constant 14 : i32
      %get3A_448 = arith.index_cast %get3A_447 : i32 to index
      %get3A_449 = arith.constant 32 : index
      %get3A_450 = tpu.vector_load %arg8[%get3A_448, %get3A_449] {strides = array<i32>} : memref<16x128xf32, #tpu.memory_space<vmem>>, vector<16xf32>,
      %add3A_451 = arith.addf %add3A_446, %get3A_450 : vector<16xf32>
      %get3A_452 = arith.constant 15 : i32
      %get3A_453 = arith.index_cast %get3A_452 : i32 to index
      %get3A_454 = arith.constant 32 : index
      %get3A_455 = tpu.vector_load %arg8[%get3A_453, %get3A_454] {strides = array<i32>} : memref<16x128xf32, #tpu.memory_space<vmem>>, vector<16xf32>,
      %add3A_456 = arith.addf %add3A_451, %get3A_455 : vector<16xf32>
      %swap3A_457 = arith.constant 32 : index
      %swap3A_458 = tpu.vector_load %arg10[%swap3A_457] {strides = array<i32>} : memref<128xf32, #tpu.memory_space<vmem>>, vector<16xf32>,
      tpu.vector_store %arg10[%swap3A_457], %add3A_456 {strides = array<i32>} : memref<128xf32, #tpu.memory_space<vmem>>, vector<16xf32>,
      %get3A_459 = arith.constant 0 : i32
      %get3A_460 = arith.index_cast %get3A_459 : i32 to index
      %get3A_461 = arith.constant 48 : index
      %get3A_462 = tpu.vector_load %arg8[%get3A_460, %get3A_461] {strides = array<i32>} : memref<16x128xf32, #tpu.memory_space<vmem>>, vector<16xf32>,
      %get3A_463 = arith.constant 1 : i32
      %get3A_464 = arith.index_cast %get3A_463 : i32 to index
      %get3A_465 = arith.constant 48 : index
      %get3A_466 = tpu.vector_load %arg8[%get3A_464, %get3A_465] {strides = array<i32>} : memref<16x128xf32, #tpu.memory_space<vmem>>, vector<16xf32>,
      %add3A_467 = arith.addf %get3A_462, %get3A_466 : vector<16xf32>
      %get3A_468 = arith.constant 2 : i32
      %get3A_469 = arith.index_cast %get3A_468 : i32 to index
      %get3A_470 = arith.constant 48 : index
      %get3A_471 = tpu.vector_load %arg8[%get3A_469, %get3A_470] {strides = array<i32>} : memref<16x128xf32, #tpu.memory_space<vmem>>, vector<16xf32>,
      %add3A_472 = arith.addf %add3A_467, %get3A_471 : vector<16xf32>
      %get3A_473 = arith.constant 3 : i32
      %get3A_474 = arith.index_cast %get3A_473 : i32 to index
      %get3A_475 = arith.constant 48 : index
      %get3A_476 = tpu.vector_load %arg8[%get3A_474, %get3A_475] {strides = array<i32>} : memref<16x128xf32, #tpu.memory_space<vmem>>, vector<16xf32>,
      %add3A_477 = arith.addf %add3A_472, %get3A_476 : vector<16xf32>
      %get3A_478 = arith.constant 4 : i32
      %get3A_479 = arith.index_cast %get3A_478 : i32 to index
      %get3A_480 = arith.constant 48 : index
      %get3A_481 = tpu.vector_load %arg8[%get3A_479, %get3A_480] {strides = array<i32>} : memref<16x128xf32, #tpu.memory_space<vmem>>, vector<16xf32>,
      %add3A_482 = arith.addf %add3A_477, %get3A_481 : vector<16xf32>
      %get3A_483 = arith.constant 5 : i32
      %get3A_484 = arith.index_cast %get3A_483 : i32 to index
      %get3A_485 = arith.constant 48 : index
      %get3A_486 = tpu.vector_load %arg8[%get3A_484, %get3A_485] {strides = array<i32>} : memref<16x128xf32, #tpu.memory_space<vmem>>, vector<16xf32>,
      %add3A_487 = arith.addf %add3A_482, %get3A_486 : vector<16xf32>
      %get3A_488 = arith.constant 6 : i32
      %get3A_489 = arith.index_cast %get3A_488 : i32 to index
      %get3A_490 = arith.constant 48 : index
      %get3A_491 = tpu.vector_load %arg8[%get3A_489, %get3A_490] {strides = array<i32>} : memref<16x128xf32, #tpu.memory_space<vmem>>, vector<16xf32>,
      %add3A_492 = arith.addf %add3A_487, %get3A_491 : vector<16xf32>
      %get3A_493 = arith.constant 7 : i32
      %get3A_494 = arith.index_cast %get3A_493 : i32 to index
      %get3A_495 = arith.constant 48 : index
      %get3A_496 = tpu.vector_load %arg8[%get3A_494, %get3A_495] {strides = array<i32>} : memref<16x128xf32, #tpu.memory_space<vmem>>, vector<16xf32>,
      %add3A_497 = arith.addf %add3A_492, %get3A_496 : vector<16xf32>
      %get3A_498 = arith.constant 8 : i32
      %get3A_499 = arith.index_cast %get3A_498 : i32 to index
      %get3A_500 = arith.constant 48 : index
      %get3A_501 = tpu.vector_load %arg8[%get3A_499, %get3A_500] {strides = array<i32>} : memref<16x128xf32, #tpu.memory_space<vmem>>, vector<16xf32>,
      %add3A_502 = arith.addf %add3A_497, %get3A_501 : vector<16xf32>
      %get3A_503 = arith.constant 9 : i32
      %get3A_504 = arith.index_cast %get3A_503 : i32 to index
      %get3A_505 = arith.constant 48 : index
      %get3A_506 = tpu.vector_load %arg8[%get3A_504, %get3A_505] {strides = array<i32>} : memref<16x128xf32, #tpu.memory_space<vmem>>, vector<16xf32>,
      %add3A_507 = arith.addf %add3A_502, %get3A_506 : vector<16xf32>
      %get3A_508 = arith.constant 10 : i32
      %get3A_509 = arith.index_cast %get3A_508 : i32 to index
      %get3A_510 = arith.constant 48 : index
      %get3A_511 = tpu.vector_load %arg8[%get3A_509, %get3A_510] {strides = array<i32>} : memref<16x128xf32, #tpu.memory_space<vmem>>, vector<16xf32>,
      %add3A_512 = arith.addf %add3A_507, %get3A_511 : vector<16xf32>
      %get3A_513 = arith.constant 11 : i32
      %get3A_514 = arith.index_cast %get3A_513 : i32 to index
      %get3A_515 = arith.constant 48 : index
      %get3A_516 = tpu.vector_load %arg8[%get3A_514, %get3A_515] {strides = array<i32>} : memref<16x128xf32, #tpu.memory_space<vmem>>, vector<16xf32>,
      %add3A_517 = arith.addf %add3A_512, %get3A_516 : vector<16xf32>
      %get3A_518 = arith.constant 12 : i32
      %get3A_519 = arith.index_cast %get3A_518 : i32 to index
      %get3A_520 = arith.constant 48 : index
      %get3A_521 = tpu.vector_load %arg8[%get3A_519, %get3A_520] {strides = array<i32>} : memref<16x128xf32, #tpu.memory_space<vmem>>, vector<16xf32>,
      %add3A_522 = arith.addf %add3A_517, %get3A_521 : vector<16xf32>
      %get3A_523 = arith.constant 13 : i32
      %get3A_524 = arith.index_cast %get3A_523 : i32 to index
      %get3A_525 = arith.constant 48 : index
      %get3A_526 = tpu.vector_load %arg8[%get3A_524, %get3A_525] {strides = array<i32>} : memref<16x128xf32, #tpu.memory_space<vmem>>, vector<16xf32>,
      %add3A_527 = arith.addf %add3A_522, %get3A_526 : vector<16xf32>
      %get3A_528 = arith.constant 14 : i32
      %get3A_529 = arith.index_cast %get3A_528 : i32 to index
      %get3A_530 = arith.constant 48 : index
      %get3A_531 = tpu.vector_load %arg8[%get3A_529, %get3A_530] {strides = array<i32>} : memref<16x128xf32, #tpu.memory_space<vmem>>, vector<16xf32>,
      %add3A_532 = arith.addf %add3A_527, %get3A_531 : vector<16xf32>
      %get3A_533 = arith.constant 15 : i32
      %get3A_534 = arith.index_cast %get3A_533 : i32 to index
      %get3A_535 = arith.constant 48 : index
      %get3A_536 = tpu.vector_load %arg8[%get3A_534, %get3A_535] {strides = array<i32>} : memref<16x128xf32, #tpu.memory_space<vmem>>, vector<16xf32>,
      %add3A_537 = arith.addf %add3A_532, %get3A_536 : vector<16xf32>
      %swap3A_538 = arith.constant 48 : index
      %swap3A_539 = tpu.vector_load %arg10[%swap3A_538] {strides = array<i32>} : memref<128xf32, #tpu.memory_space<vmem>>, vector<16xf32>,
      tpu.vector_store %arg10[%swap3A_538], %add3A_537 {strides = array<i32>} : memref<128xf32, #tpu.memory_space<vmem>>, vector<16xf32>,
      %get3A_540 = arith.constant 0 : i32
      %get3A_541 = arith.index_cast %get3A_540 : i32 to index
      %get3A_542 = arith.constant 64 : index
      %get3A_543 = tpu.vector_load %arg8[%get3A_541, %get3A_542] {strides = array<i32>} : memref<16x128xf32, #tpu.memory_space<vmem>>, vector<16xf32>,
      %get3A_544 = arith.constant 1 : i32
      %get3A_545 = arith.index_cast %get3A_544 : i32 to index
      %get3A_546 = arith.constant 64 : index
      %get3A_547 = tpu.vector_load %arg8[%get3A_545, %get3A_546] {strides = array<i32>} : memref<16x128xf32, #tpu.memory_space<vmem>>, vector<16xf32>,
      %add3A_548 = arith.addf %get3A_543, %get3A_547 : vector<16xf32>
      %get3A_549 = arith.constant 2 : i32
      %get3A_550 = arith.index_cast %get3A_549 : i32 to index
      %get3A_551 = arith.constant 64 : index
      %get3A_552 = tpu.vector_load %arg8[%get3A_550, %get3A_551] {strides = array<i32>} : memref<16x128xf32, #tpu.memory_space<vmem>>, vector<16xf32>,
      %add3A_553 = arith.addf %add3A_548, %get3A_552 : vector<16xf32>
      %get3A_554 = arith.constant 3 : i32
      %get3A_555 = arith.index_cast %get3A_554 : i32 to index
      %get3A_556 = arith.constant 64 : index
      %get3A_557 = tpu.vector_load %arg8[%get3A_555, %get3A_556] {strides = array<i32>} : memref<16x128xf32, #tpu.memory_space<vmem>>, vector<16xf32>,
      %add3A_558 = arith.addf %add3A_553, %get3A_557 : vector<16xf32>
      %get3A_559 = arith.constant 4 : i32
      %get3A_560 = arith.index_cast %get3A_559 : i32 to index
      %get3A_561 = arith.constant 64 : index
      %get3A_562 = tpu.vector_load %arg8[%get3A_560, %get3A_561] {strides = array<i32>} : memref<16x128xf32, #tpu.memory_space<vmem>>, vector<16xf32>,
      %add3A_563 = arith.addf %add3A_558, %get3A_562 : vector<16xf32>
      %get3A_564 = arith.constant 5 : i32
      %get3A_565 = arith.index_cast %get3A_564 : i32 to index
      %get3A_566 = arith.constant 64 : index
      %get3A_567 = tpu.vector_load %arg8[%get3A_565, %get3A_566] {strides = array<i32>} : memref<16x128xf32, #tpu.memory_space<vmem>>, vector<16xf32>,
      %add3A_568 = arith.addf %add3A_563, %get3A_567 : vector<16xf32>
      %get3A_569 = arith.constant 6 : i32
      %get3A_570 = arith.index_cast %get3A_569 : i32 to index
      %get3A_571 = arith.constant 64 : index
      %get3A_572 = tpu.vector_load %arg8[%get3A_570, %get3A_571] {strides = array<i32>} : memref<16x128xf32, #tpu.memory_space<vmem>>, vector<16xf32>,
      %add3A_573 = arith.addf %add3A_568, %get3A_572 : vector<16xf32>
      %get3A_574 = arith.constant 7 : i32
      %get3A_575 = arith.index_cast %get3A_574 : i32 to index
      %get3A_576 = arith.constant 64 : index
      %get3A_577 = tpu.vector_load %arg8[%get3A_575, %get3A_576] {strides = array<i32>} : memref<16x128xf32, #tpu.memory_space<vmem>>, vector<16xf32>,
      %add3A_578 = arith.addf %add3A_573, %get3A_577 : vector<16xf32>
      %get3A_579 = arith.constant 8 : i32
      %get3A_580 = arith.index_cast %get3A_579 : i32 to index
      %get3A_581 = arith.constant 64 : index
      %get3A_582 = tpu.vector_load %arg8[%get3A_580, %get3A_581] {strides = array<i32>} : memref<16x128xf32, #tpu.memory_space<vmem>>, vector<16xf32>,
      %add3A_583 = arith.addf %add3A_578, %get3A_582 : vector<16xf32>
      %get3A_584 = arith.constant 9 : i32
      %get3A_585 = arith.index_cast %get3A_584 : i32 to index
      %get3A_586 = arith.constant 64 : index
      %get3A_587 = tpu.vector_load %arg8[%get3A_585, %get3A_586] {strides = array<i32>} : memref<16x128xf32, #tpu.memory_space<vmem>>, vector<16xf32>,
      %add3A_588 = arith.addf %add3A_583, %get3A_587 : vector<16xf32>
      %get3A_589 = arith.constant 10 : i32
      %get3A_590 = arith.index_cast %get3A_589 : i32 to index
      %get3A_591 = arith.constant 64 : index
      %get3A_592 = tpu.vector_load %arg8[%get3A_590, %get3A_591] {strides = array<i32>} : memref<16x128xf32, #tpu.memory_space<vmem>>, vector<16xf32>,
      %add3A_593 = arith.addf %add3A_588, %get3A_592 : vector<16xf32>
      %get3A_594 = arith.constant 11 : i32
      %get3A_595 = arith.index_cast %get3A_594 : i32 to index
      %get3A_596 = arith.constant 64 : index
      %get3A_597 = tpu.vector_load %arg8[%get3A_595, %get3A_596] {strides = array<i32>} : memref<16x128xf32, #tpu.memory_space<vmem>>, vector<16xf32>,
      %add3A_598 = arith.addf %add3A_593, %get3A_597 : vector<16xf32>
      %get3A_599 = arith.constant 12 : i32
      %get3A_600 = arith.index_cast %get3A_599 : i32 to index
      %get3A_601 = arith.constant 64 : index
      %get3A_602 = tpu.vector_load %arg8[%get3A_600, %get3A_601] {strides = array<i32>} : memref<16x128xf32, #tpu.memory_space<vmem>>, vector<16xf32>,
      %add3A_603 = arith.addf %add3A_598, %get3A_602 : vector<16xf32>
      %get3A_604 = arith.constant 13 : i32
      %get3A_605 = arith.index_cast %get3A_604 : i32 to index
      %get3A_606 = arith.constant 64 : index
      %get3A_607 = tpu.vector_load %arg8[%get3A_605, %get3A_606] {strides = array<i32>} : memref<16x128xf32, #tpu.memory_space<vmem>>, vector<16xf32>,
      %add3A_608 = arith.addf %add3A_603, %get3A_607 : vector<16xf32>
      %get3A_609 = arith.constant 14 : i32
      %get3A_610 = arith.index_cast %get3A_609 : i32 to index
      %get3A_611 = arith.constant 64 : index
      %get3A_612 = tpu.vector_load %arg8[%get3A_610, %get3A_611] {strides = array<i32>} : memref<16x128xf32, #tpu.memory_space<vmem>>, vector<16xf32>,
      %add3A_613 = arith.addf %add3A_608, %get3A_612 : vector<16xf32>
      %get3A_614 = arith.constant 15 : i32
      %get3A_615 = arith.index_cast %get3A_614 : i32 to index
      %get3A_616 = arith.constant 64 : index
      %get3A_617 = tpu.vector_load %arg8[%get3A_615, %get3A_616] {strides = array<i32>} : memref<16x128xf32, #tpu.memory_space<vmem>>, vector<16xf32>,
      %add3A_618 = arith.addf %add3A_613, %get3A_617 : vector<16xf32>
      %swap3A_619 = arith.constant 64 : index
      %swap3A_620 = tpu.vector_load %arg10[%swap3A_619] {strides = array<i32>} : memref<128xf32, #tpu.memory_space<vmem>>, vector<16xf32>,
      tpu.vector_store %arg10[%swap3A_619], %add3A_618 {strides = array<i32>} : memref<128xf32, #tpu.memory_space<vmem>>, vector<16xf32>,
      %get3A_621 = arith.constant 0 : i32
      %get3A_622 = arith.index_cast %get3A_621 : i32 to index
      %get3A_623 = arith.constant 80 : index
      %get3A_624 = tpu.vector_load %arg8[%get3A_622, %get3A_623] {strides = array<i32>} : memref<16x128xf32, #tpu.memory_space<vmem>>, vector<16xf32>,
      %get3A_625 = arith.constant 1 : i32
      %get3A_626 = arith.index_cast %get3A_625 : i32 to index
      %get3A_627 = arith.constant 80 : index
      %get3A_628 = tpu.vector_load %arg8[%get3A_626, %get3A_627] {strides = array<i32>} : memref<16x128xf32, #tpu.memory_space<vmem>>, vector<16xf32>,
      %add3A_629 = arith.addf %get3A_624, %get3A_628 : vector<16xf32>
      %get3A_630 = arith.constant 2 : i32
      %get3A_631 = arith.index_cast %get3A_630 : i32 to index
      %get3A_632 = arith.constant 80 : index
      %get3A_633 = tpu.vector_load %arg8[%get3A_631, %get3A_632] {strides = array<i32>} : memref<16x128xf32, #tpu.memory_space<vmem>>, vector<16xf32>,
      %add3A_634 = arith.addf %add3A_629, %get3A_633 : vector<16xf32>
      %get3A_635 = arith.constant 3 : i32
      %get3A_636 = arith.index_cast %get3A_635 : i32 to index
      %get3A_637 = arith.constant 80 : index
      %get3A_638 = tpu.vector_load %arg8[%get3A_636, %get3A_637] {strides = array<i32>} : memref<16x128xf32, #tpu.memory_space<vmem>>, vector<16xf32>,
      %add3A_639 = arith.addf %add3A_634, %get3A_638 : vector<16xf32>
      %get3A_640 = arith.constant 4 : i32
      %get3A_641 = arith.index_cast %get3A_640 : i32 to index
      %get3A_642 = arith.constant 80 : index
      %get3A_643 = tpu.vector_load %arg8[%get3A_641, %get3A_642] {strides = array<i32>} : memref<16x128xf32, #tpu.memory_space<vmem>>, vector<16xf32>,
      %add3A_644 = arith.addf %add3A_639, %get3A_643 : vector<16xf32>
      %get3A_645 = arith.constant 5 : i32
      %get3A_646 = arith.index_cast %get3A_645 : i32 to index
      %get3A_647 = arith.constant 80 : index
      %get3A_648 = tpu.vector_load %arg8[%get3A_646, %get3A_647] {strides = array<i32>} : memref<16x128xf32, #tpu.memory_space<vmem>>, vector<16xf32>,
      %add3A_649 = arith.addf %add3A_644, %get3A_648 : vector<16xf32>
      %get3A_650 = arith.constant 6 : i32
      %get3A_651 = arith.index_cast %get3A_650 : i32 to index
      %get3A_652 = arith.constant 80 : index
      %get3A_653 = tpu.vector_load %arg8[%get3A_651, %get3A_652] {strides = array<i32>} : memref<16x128xf32, #tpu.memory_space<vmem>>, vector<16xf32>,
      %add3A_654 = arith.addf %add3A_649, %get3A_653 : vector<16xf32>
      %get3A_655 = arith.constant 7 : i32
      %get3A_656 = arith.index_cast %get3A_655 : i32 to index
      %get3A_657 = arith.constant 80 : index
      %get3A_658 = tpu.vector_load %arg8[%get3A_656, %get3A_657] {strides = array<i32>} : memref<16x128xf32, #tpu.memory_space<vmem>>, vector<16xf32>,
      %add3A_659 = arith.addf %add3A_654, %get3A_658 : vector<16xf32>
      %get3A_660 = arith.constant 8 : i32
      %get3A_661 = arith.index_cast %get3A_660 : i32 to index
      %get3A_662 = arith.constant 80 : index
      %get3A_663 = tpu.vector_load %arg8[%get3A_661, %get3A_662] {strides = array<i32>} : memref<16x128xf32, #tpu.memory_space<vmem>>, vector<16xf32>,
      %add3A_664 = arith.addf %add3A_659, %get3A_663 : vector<16xf32>
      %get3A_665 = arith.constant 9 : i32
      %get3A_666 = arith.index_cast %get3A_665 : i32 to index
      %get3A_667 = arith.constant 80 : index
      %get3A_668 = tpu.vector_load %arg8[%get3A_666, %get3A_667] {strides = array<i32>} : memref<16x128xf32, #tpu.memory_space<vmem>>, vector<16xf32>,
      %add3A_669 = arith.addf %add3A_664, %get3A_668 : vector<16xf32>
      %get3A_670 = arith.constant 10 : i32
      %get3A_671 = arith.index_cast %get3A_670 : i32 to index
      %get3A_672 = arith.constant 80 : index
      %get3A_673 = tpu.vector_load %arg8[%get3A_671, %get3A_672] {strides = array<i32>} : memref<16x128xf32, #tpu.memory_space<vmem>>, vector<16xf32>,
      %add3A_674 = arith.addf %add3A_669, %get3A_673 : vector<16xf32>
      %get3A_675 = arith.constant 11 : i32
      %get3A_676 = arith.index_cast %get3A_675 : i32 to index
      %get3A_677 = arith.constant 80 : index
      %get3A_678 = tpu.vector_load %arg8[%get3A_676, %get3A_677] {strides = array<i32>} : memref<16x128xf32, #tpu.memory_space<vmem>>, vector<16xf32>,
      %add3A_679 = arith.addf %add3A_674, %get3A_678 : vector<16xf32>
      %get3A_680 = arith.constant 12 : i32
      %get3A_681 = arith.index_cast %get3A_680 : i32 to index
      %get3A_682 = arith.constant 80 : index
      %get3A_683 = tpu.vector_load %arg8[%get3A_681, %get3A_682] {strides = array<i32>} : memref<16x128xf32, #tpu.memory_space<vmem>>, vector<16xf32>,
      %add3A_684 = arith.addf %add3A_679, %get3A_683 : vector<16xf32>
      %get3A_685 = arith.constant 13 : i32
      %get3A_686 = arith.index_cast %get3A_685 : i32 to index
      %get3A_687 = arith.constant 80 : index
      %get3A_688 = tpu.vector_load %arg8[%get3A_686, %get3A_687] {strides = array<i32>} : memref<16x128xf32, #tpu.memory_space<vmem>>, vector<16xf32>,
      %add3A_689 = arith.addf %add3A_684, %get3A_688 : vector<16xf32>
      %get3A_690 = arith.constant 14 : i32
      %get3A_691 = arith.index_cast %get3A_690 : i32 to index
      %get3A_692 = arith.constant 80 : index
      %get3A_693 = tpu.vector_load %arg8[%get3A_691, %get3A_692] {strides = array<i32>} : memref<16x128xf32, #tpu.memory_space<vmem>>, vector<16xf32>,
      %add3A_694 = arith.addf %add3A_689, %get3A_693 : vector<16xf32>
      %get3A_695 = arith.constant 15 : i32
      %get3A_696 = arith.index_cast %get3A_695 : i32 to index
      %get3A_697 = arith.constant 80 : index
      %get3A_698 = tpu.vector_load %arg8[%get3A_696, %get3A_697] {strides = array<i32>} : memref<16x128xf32, #tpu.memory_space<vmem>>, vector<16xf32>,
      %add3A_699 = arith.addf %add3A_694, %get3A_698 : vector<16xf32>
      %swap3A_700 = arith.constant 80 : index
      %swap3A_701 = tpu.vector_load %arg10[%swap3A_700] {strides = array<i32>} : memref<128xf32, #tpu.memory_space<vmem>>, vector<16xf32>,
      tpu.vector_store %arg10[%swap3A_700], %add3A_699 {strides = array<i32>} : memref<128xf32, #tpu.memory_space<vmem>>, vector<16xf32>,
      %get3A_702 = arith.constant 0 : i32
      %get3A_703 = arith.index_cast %get3A_702 : i32 to index
      %get3A_704 = arith.constant 96 : index
      %get3A_705 = tpu.vector_load %arg8[%get3A_703, %get3A_704] {strides = array<i32>} : memref<16x128xf32, #tpu.memory_space<vmem>>, vector<16xf32>,
      %get3A_706 = arith.constant 1 : i32
      %get3A_707 = arith.index_cast %get3A_706 : i32 to index
      %get3A_708 = arith.constant 96 : index
      %get3A_709 = tpu.vector_load %arg8[%get3A_707, %get3A_708] {strides = array<i32>} : memref<16x128xf32, #tpu.memory_space<vmem>>, vector<16xf32>,
      %add3A_710 = arith.addf %get3A_705, %get3A_709 : vector<16xf32>
      %get3A_711 = arith.constant 2 : i32
      %get3A_712 = arith.index_cast %get3A_711 : i32 to index
      %get3A_713 = arith.constant 96 : index
      %get3A_714 = tpu.vector_load %arg8[%get3A_712, %get3A_713] {strides = array<i32>} : memref<16x128xf32, #tpu.memory_space<vmem>>, vector<16xf32>,
      %add3A_715 = arith.addf %add3A_710, %get3A_714 : vector<16xf32>
      %get3A_716 = arith.constant 3 : i32
      %get3A_717 = arith.index_cast %get3A_716 : i32 to index
      %get3A_718 = arith.constant 96 : index
      %get3A_719 = tpu.vector_load %arg8[%get3A_717, %get3A_718] {strides = array<i32>} : memref<16x128xf32, #tpu.memory_space<vmem>>, vector<16xf32>,
      %add3A_720 = arith.addf %add3A_715, %get3A_719 : vector<16xf32>
      %get3A_721 = arith.constant 4 : i32
      %get3A_722 = arith.index_cast %get3A_721 : i32 to index
      %get3A_723 = arith.constant 96 : index
      %get3A_724 = tpu.vector_load %arg8[%get3A_722, %get3A_723] {strides = array<i32>} : memref<16x128xf32, #tpu.memory_space<vmem>>, vector<16xf32>,
      %add3A_725 = arith.addf %add3A_720, %get3A_724 : vector<16xf32>
      %get3A_726 = arith.constant 5 : i32
      %get3A_727 = arith.index_cast %get3A_726 : i32 to index
      %get3A_728 = arith.constant 96 : index
      %get3A_729 = tpu.vector_load %arg8[%get3A_727, %get3A_728] {strides = array<i32>} : memref<16x128xf32, #tpu.memory_space<vmem>>, vector<16xf32>,
      %add3A_730 = arith.addf %add3A_725, %get3A_729 : vector<16xf32>
      %get3A_731 = arith.constant 6 : i32
      %get3A_732 = arith.index_cast %get3A_731 : i32 to index
      %get3A_733 = arith.constant 96 : index
      %get3A_734 = tpu.vector_load %arg8[%get3A_732, %get3A_733] {strides = array<i32>} : memref<16x128xf32, #tpu.memory_space<vmem>>, vector<16xf32>,
      %add3A_735 = arith.addf %add3A_730, %get3A_734 : vector<16xf32>
      %get3A_736 = arith.constant 7 : i32
      %get3A_737 = arith.index_cast %get3A_736 : i32 to index
      %get3A_738 = arith.constant 96 : index
      %get3A_739 = tpu.vector_load %arg8[%get3A_737, %get3A_738] {strides = array<i32>} : memref<16x128xf32, #tpu.memory_space<vmem>>, vector<16xf32>,
      %add3A_740 = arith.addf %add3A_735, %get3A_739 : vector<16xf32>
      %get3A_741 = arith.constant 8 : i32
      %get3A_742 = arith.index_cast %get3A_741 : i32 to index
      %get3A_743 = arith.constant 96 : index
      %get3A_744 = tpu.vector_load %arg8[%get3A_742, %get3A_743] {strides = array<i32>} : memref<16x128xf32, #tpu.memory_space<vmem>>, vector<16xf32>,
      %add3A_745 = arith.addf %add3A_740, %get3A_744 : vector<16xf32>
      %get3A_746 = arith.constant 9 : i32
      %get3A_747 = arith.index_cast %get3A_746 : i32 to index
      %get3A_748 = arith.constant 96 : index
      %get3A_749 = tpu.vector_load %arg8[%get3A_747, %get3A_748] {strides = array<i32>} : memref<16x128xf32, #tpu.memory_space<vmem>>, vector<16xf32>,
      %add3A_750 = arith.addf %add3A_745, %get3A_749 : vector<16xf32>
      %get3A_751 = arith.constant 10 : i32
      %get3A_752 = arith.index_cast %get3A_751 : i32 to index
      %get3A_753 = arith.constant 96 : index
      %get3A_754 = tpu.vector_load %arg8[%get3A_752, %get3A_753] {strides = array<i32>} : memref<16x128xf32, #tpu.memory_space<vmem>>, vector<16xf32>,
      %add3A_755 = arith.addf %add3A_750, %get3A_754 : vector<16xf32>
      %get3A_756 = arith.constant 11 : i32
      %get3A_757 = arith.index_cast %get3A_756 : i32 to index
      %get3A_758 = arith.constant 96 : index
      %get3A_759 = tpu.vector_load %arg8[%get3A_757, %get3A_758] {strides = array<i32>} : memref<16x128xf32, #tpu.memory_space<vmem>>, vector<16xf32>,
      %add3A_760 = arith.addf %add3A_755, %get3A_759 : vector<16xf32>
      %get3A_761 = arith.constant 12 : i32
      %get3A_762 = arith.index_cast %get3A_761 : i32 to index
      %get3A_763 = arith.constant 96 : index
      %get3A_764 = tpu.vector_load %arg8[%get3A_762, %get3A_763] {strides = array<i32>} : memref<16x128xf32, #tpu.memory_space<vmem>>, vector<16xf32>,
      %add3A_765 = arith.addf %add3A_760, %get3A_764 : vector<16xf32>
      %get3A_766 = arith.constant 13 : i32
      %get3A_767 = arith.index_cast %get3A_766 : i32 to index
      %get3A_768 = arith.constant 96 : index
      %get3A_769 = tpu.vector_load %arg8[%get3A_767, %get3A_768] {strides = array<i32>} : memref<16x128xf32, #tpu.memory_space<vmem>>, vector<16xf32>,
      %add3A_770 = arith.addf %add3A_765, %get3A_769 : vector<16xf32>
      %get3A_771 = arith.constant 14 : i32
      %get3A_772 = arith.index_cast %get3A_771 : i32 to index
      %get3A_773 = arith.constant 96 : index
      %get3A_774 = tpu.vector_load %arg8[%get3A_772, %get3A_773] {strides = array<i32>} : memref<16x128xf32, #tpu.memory_space<vmem>>, vector<16xf32>,
      %add3A_775 = arith.addf %add3A_770, %get3A_774 : vector<16xf32>
      %get3A_776 = arith.constant 15 : i32
      %get3A_777 = arith.index_cast %get3A_776 : i32 to index
      %get3A_778 = arith.constant 96 : index
      %get3A_779 = tpu.vector_load %arg8[%get3A_777, %get3A_778] {strides = array<i32>} : memref<16x128xf32, #tpu.memory_space<vmem>>, vector<16xf32>,
      %add3A_780 = arith.addf %add3A_775, %get3A_779 : vector<16xf32>
      %swap3A_781 = arith.constant 96 : index
      %swap3A_782 = tpu.vector_load %arg10[%swap3A_781] {strides = array<i32>} : memref<128xf32, #tpu.memory_space<vmem>>, vector<16xf32>,
      tpu.vector_store %arg10[%swap3A_781], %add3A_780 {strides = array<i32>} : memref<128xf32, #tpu.memory_space<vmem>>, vector<16xf32>,
      %get3A_783 = arith.constant 0 : i32
      %get3A_784 = arith.index_cast %get3A_783 : i32 to index
      %get3A_785 = arith.constant 112 : index
      %get3A_786 = tpu.vector_load %arg8[%get3A_784, %get3A_785] {strides = array<i32>} : memref<16x128xf32, #tpu.memory_space<vmem>>, vector<16xf32>,
      %get3A_787 = arith.constant 1 : i32
      %get3A_788 = arith.index_cast %get3A_787 : i32 to index
      %get3A_789 = arith.constant 112 : index
      %get3A_790 = tpu.vector_load %arg8[%get3A_788, %get3A_789] {strides = array<i32>} : memref<16x128xf32, #tpu.memory_space<vmem>>, vector<16xf32>,
      %add3A_791 = arith.addf %get3A_786, %get3A_790 : vector<16xf32>
      %get3A_792 = arith.constant 2 : i32
      %get3A_793 = arith.index_cast %get3A_792 : i32 to index
      %get3A_794 = arith.constant 112 : index
      %get3A_795 = tpu.vector_load %arg8[%get3A_793, %get3A_794] {strides = array<i32>} : memref<16x128xf32, #tpu.memory_space<vmem>>, vector<16xf32>,
      %add3A_796 = arith.addf %add3A_791, %get3A_795 : vector<16xf32>
      %get3A_797 = arith.constant 3 : i32
      %get3A_798 = arith.index_cast %get3A_797 : i32 to index
      %get3A_799 = arith.constant 112 : index
      %get3A_800 = tpu.vector_load %arg8[%get3A_798, %get3A_799] {strides = array<i32>} : memref<16x128xf32, #tpu.memory_space<vmem>>, vector<16xf32>,
      %add3A_801 = arith.addf %add3A_796, %get3A_800 : vector<16xf32>
      %get3A_802 = arith.constant 4 : i32
      %get3A_803 = arith.index_cast %get3A_802 : i32 to index
      %get3A_804 = arith.constant 112 : index
      %get3A_805 = tpu.vector_load %arg8[%get3A_803, %get3A_804] {strides = array<i32>} : memref<16x128xf32, #tpu.memory_space<vmem>>, vector<16xf32>,
      %add3A_806 = arith.addf %add3A_801, %get3A_805 : vector<16xf32>
      %get3A_807 = arith.constant 5 : i32
      %get3A_808 = arith.index_cast %get3A_807 : i32 to index
      %get3A_809 = arith.constant 112 : index
      %get3A_810 = tpu.vector_load %arg8[%get3A_808, %get3A_809] {strides = array<i32>} : memref<16x128xf32, #tpu.memory_space<vmem>>, vector<16xf32>,
      %add3A_811 = arith.addf %add3A_806, %get3A_810 : vector<16xf32>
      %get3A_812 = arith.constant 6 : i32
      %get3A_813 = arith.index_cast %get3A_812 : i32 to index
      %get3A_814 = arith.constant 112 : index
      %get3A_815 = tpu.vector_load %arg8[%get3A_813, %get3A_814] {strides = array<i32>} : memref<16x128xf32, #tpu.memory_space<vmem>>, vector<16xf32>,
      %add3A_816 = arith.addf %add3A_811, %get3A_815 : vector<16xf32>
      %get3A_817 = arith.constant 7 : i32
      %get3A_818 = arith.index_cast %get3A_817 : i32 to index
      %get3A_819 = arith.constant 112 : index
      %get3A_820 = tpu.vector_load %arg8[%get3A_818, %get3A_819] {strides = array<i32>} : memref<16x128xf32, #tpu.memory_space<vmem>>, vector<16xf32>,
      %add3A_821 = arith.addf %add3A_816, %get3A_820 : vector<16xf32>
      %get3A_822 = arith.constant 8 : i32
      %get3A_823 = arith.index_cast %get3A_822 : i32 to index
      %get3A_824 = arith.constant 112 : index
      %get3A_825 = tpu.vector_load %arg8[%get3A_823, %get3A_824] {strides = array<i32>} : memref<16x128xf32, #tpu.memory_space<vmem>>, vector<16xf32>,
      %add3A_826 = arith.addf %add3A_821, %get3A_825 : vector<16xf32>
      %get3A_827 = arith.constant 9 : i32
      %get3A_828 = arith.index_cast %get3A_827 : i32 to index
      %get3A_829 = arith.constant 112 : index
      %get3A_830 = tpu.vector_load %arg8[%get3A_828, %get3A_829] {strides = array<i32>} : memref<16x128xf32, #tpu.memory_space<vmem>>, vector<16xf32>,
      %add3A_831 = arith.addf %add3A_826, %get3A_830 : vector<16xf32>
      %get3A_832 = arith.constant 10 : i32
      %get3A_833 = arith.index_cast %get3A_832 : i32 to index
      %get3A_834 = arith.constant 112 : index
      %get3A_835 = tpu.vector_load %arg8[%get3A_833, %get3A_834] {strides = array<i32>} : memref<16x128xf32, #tpu.memory_space<vmem>>, vector<16xf32>,
      %add3A_836 = arith.addf %add3A_831, %get3A_835 : vector<16xf32>
      %get3A_837 = arith.constant 11 : i32
      %get3A_838 = arith.index_cast %get3A_837 : i32 to index
      %get3A_839 = arith.constant 112 : index
      %get3A_840 = tpu.vector_load %arg8[%get3A_838, %get3A_839] {strides = array<i32>} : memref<16x128xf32, #tpu.memory_space<vmem>>, vector<16xf32>,
      %add3A_841 = arith.addf %add3A_836, %get3A_840 : vector<16xf32>
      %get3A_842 = arith.constant 12 : i32
      %get3A_843 = arith.index_cast %get3A_842 : i32 to index
      %get3A_844 = arith.constant 112 : index
      %get3A_845 = tpu.vector_load %arg8[%get3A_843, %get3A_844] {strides = array<i32>} : memref<16x128xf32, #tpu.memory_space<vmem>>, vector<16xf32>,
      %add3A_846 = arith.addf %add3A_841, %get3A_845 : vector<16xf32>
      %get3A_847 = arith.constant 13 : i32
      %get3A_848 = arith.index_cast %get3A_847 : i32 to index
      %get3A_849 = arith.constant 112 : index
      %get3A_850 = tpu.vector_load %arg8[%get3A_848, %get3A_849] {strides = array<i32>} : memref<16x128xf32, #tpu.memory_space<vmem>>, vector<16xf32>,
      %add3A_851 = arith.addf %add3A_846, %get3A_850 : vector<16xf32>
      %get3A_852 = arith.constant 14 : i32
      %get3A_853 = arith.index_cast %get3A_852 : i32 to index
      %get3A_854 = arith.constant 112 : index
      %get3A_855 = tpu.vector_load %arg8[%get3A_853, %get3A_854] {strides = array<i32>} : memref<16x128xf32, #tpu.memory_space<vmem>>, vector<16xf32>,
      %add3A_856 = arith.addf %add3A_851, %get3A_855 : vector<16xf32>
      %get3A_857 = arith.constant 15 : i32
      %get3A_858 = arith.index_cast %get3A_857 : i32 to index
      %get3A_859 = arith.constant 112 : index
      %get3A_860 = tpu.vector_load %arg8[%get3A_858, %get3A_859] {strides = array<i32>} : memref<16x128xf32, #tpu.memory_space<vmem>>, vector<16xf32>,
      %add3A_861 = arith.addf %add3A_856, %get3A_860 : vector<16xf32>
      %swap3A_862 = arith.constant 112 : index
      %swap3A_863 = tpu.vector_load %arg10[%swap3A_862] {strides = array<i32>} : memref<128xf32, #tpu.memory_space<vmem>>, vector<16xf32>,
      tpu.vector_store %arg10[%swap3A_862], %add3A_861 {strides = array<i32>} : memref<128xf32, #tpu.memory_space<vmem>>, vector<16xf32>,
      %broadcast_in_dim3A_864 = arith.constant 0.000000e+00 : f32
      %broadcast_in_dim3A_865 = vector.broadcast %broadcast_in_dim3A_864 : f32 to vector<16xf32>
      %get3A_866 = arith.constant 0 : index
      %get3A_867 = tpu.vector_load %arg9[%get3A_866] {strides = array<i32>} : memref<128xi32, #tpu.memory_space<vmem>>, vector<16xi32>,
      %gather3A = tpu.vector_load_idx %arg10[%get3A_867] : memref<128xf32, #tpu.memory_space<vmem>>[vector<16xi32>], vector<16xf32>,
      %add3A_868 = arith.addf %broadcast_in_dim3A_865, %gather3A : vector<16xf32>
      %get3A_869 = arith.constant 16 : index
      %get3A_870 = tpu.vector_load %arg9[%get3A_869] {strides = array<i32>} : memref<128xi32, #tpu.memory_space<vmem>>, vector<16xi32>,
      %gather3A_871 = tpu.vector_load_idx %arg10[%get3A_870] : memref<128xf32, #tpu.memory_space<vmem>>[vector<16xi32>], vector<16xf32>,
      %add3A_872 = arith.addf %add3A_868, %gather3A_871 : vector<16xf32>
      %get3A_873 = arith.constant 32 : index
      %get3A_874 = tpu.vector_load %arg9[%get3A_873] {strides = array<i32>} : memref<128xi32, #tpu.memory_space<vmem>>, vector<16xi32>,
      %gather3A_875 = tpu.vector_load_idx %arg10[%get3A_874] : memref<128xf32, #tpu.memory_space<vmem>>[vector<16xi32>], vector<16xf32>,
      %add3A_876 = arith.addf %add3A_872, %gather3A_875 : vector<16xf32>
      %get3A_877 = arith.constant 48 : index
      %get3A_878 = tpu.vector_load %arg9[%get3A_877] {strides = array<i32>} : memref<128xi32, #tpu.memory_space<vmem>>, vector<16xi32>,
      %gather3A_879 = tpu.vector_load_idx %arg10[%get3A_878] : memref<128xf32, #tpu.memory_space<vmem>>[vector<16xi32>], vector<16xf32>,
      %add3A_880 = arith.addf %add3A_876, %gather3A_879 : vector<16xf32>
      %get3A_881 = arith.constant 64 : index
      %get3A_882 = tpu.vector_load %arg9[%get3A_881] {strides = array<i32>} : memref<128xi32, #tpu.memory_space<vmem>>, vector<16xi32>,
      %gather3A_883 = tpu.vector_load_idx %arg10[%get3A_882] : memref<128xf32, #tpu.memory_space<vmem>>[vector<16xi32>], vector<16xf32>,
      %add3A_884 = arith.addf %add3A_880, %gather3A_883 : vector<16xf32>
      %get3A_885 = arith.constant 80 : index
      %get3A_886 = tpu.vector_load %arg9[%get3A_885] {strides = array<i32>} : memref<128xi32, #tpu.memory_space<vmem>>, vector<16xi32>,
      %gather3A_887 = tpu.vector_load_idx %arg10[%get3A_886] : memref<128xf32, #tpu.memory_space<vmem>>[vector<16xi32>], vector<16xf32>,
      %add3A_888 = arith.addf %add3A_884, %gather3A_887 : vector<16xf32>
      %get3A_889 = arith.constant 96 : index
      %get3A_890 = tpu.vector_load %arg9[%get3A_889] {strides = array<i32>} : memref<128xi32, #tpu.memory_space<vmem>>, vector<16xi32>,
      %gather3A_891 = tpu.vector_load_idx %arg10[%get3A_890] : memref<128xf32, #tpu.memory_space<vmem>>[vector<16xi32>], vector<16xf32>,
      %add3A_892 = arith.addf %add3A_888, %gather3A_891 : vector<16xf32>
      %get3A_893 = arith.constant 112 : index
      %get3A_894 = tpu.vector_load %arg9[%get3A_893] {strides = array<i32>} : memref<128xi32, #tpu.memory_space<vmem>>, vector<16xi32>,
      %gather3A_895 = tpu.vector_load_idx %arg10[%get3A_894] : memref<128xf32, #tpu.memory_space<vmem>>[vector<16xi32>], vector<16xf32>,
      %add3A_896 = arith.addf %add3A_892, %gather3A_895 : vector<16xf32>
      %reduce_sum3A = arith.constant true
      %reduce_sum3A_897 = vector.broadcast %reduce_sum3A : i1 to vector<16xi1>
      %reduce_sum3A_898 = tpu.scan <sum>, %add3A_896 masked %reduce_sum3A_897 : vector<16xf32>, vector<16xi1> -> vector<16xf32>
      %reduce_sum3A_899 = vector.extract %reduce_sum3A_898[15] : f32 from vector<16xf32>
      %iota3A = tpu.iota {dimensions = array<i32: 0>} : vector<16xi32>
      %eq3A_900 = arith.constant 0 : i32
      %eq3A_901 = vector.broadcast %eq3A_900 : i32 to vector<16xi32>
      %eq3A_902 = arith.cmpi eq, %iota3A, %eq3A_901 : vector<16xi32>
      %jit3A = arith.constant 0.000000e+00 : f32
      %broadcast_in_dim3A_903 = vector.broadcast %reduce_sum3A_899 : f32 to vector<16xf32>
      %broadcast_in_dim3A_904 = vector.broadcast %jit3A : f32 to vector<16xf32>
      %select_n3A = arith.select %eq3A_902, %broadcast_in_dim3A_903, %broadcast_in_dim3A_904 : vector<16xi1>, vector<16xf32>
      %swap3A_905 = arith.constant 0 : index
      %swap3A_906 = tpu.vector_load %arg11[%swap3A_905] {strides = array<i32>} : memref<16xf32, #tpu.memory_space<vmem>>, vector<16xf32>,
      tpu.vector_store %arg11[%swap3A_905], %select_n3A {strides = array<i32>} : memref<16xf32, #tpu.memory_space<vmem>>, vector<16xf32>,
      "tpu.region"() ({
        %run_scoped3A = tpu.sem_alloc : memref<!tpu.dma_semaphore, #tpu.memory_space<semaphore_mem>>
        %dma_start3A_907 = arith.constant 0 : i32
        %dma_start3A_908 = tpu.memref_slice %arg5[%arg0, %dma_start3A_907] : memref<2x16xf32, #tpu.memory_space<hbm>> -> memref<1x16xf32, #tpu.memory_space<hbm>>
        %dma_start3A_909 = tpu.memref_squeeze %dma_start3A_908 : memref<1x16xf32, #tpu.memory_space<hbm>> -> memref<16xf32, #tpu.memory_space<hbm>>
        %dma_start3A_910 = arith.constant 0 : i32
        %dma_start3A_911 = tpu.memref_slice %arg5[%arg0, %dma_start3A_910] : memref<2x16xf32, #tpu.memory_space<hbm>> -> memref<1x16xf32, #tpu.memory_space<hbm>>
        %dma_start3A_912 = tpu.memref_squeeze %dma_start3A_911 : memref<1x16xf32, #tpu.memory_space<hbm>> -> memref<16xf32, #tpu.memory_space<hbm>>
        tpu.enqueue_dma source(%arg11 : memref<16xf32, #tpu.memory_space<vmem>>) target(%dma_start3A_912 : memref<16xf32, #tpu.memory_space<hbm>>) target_semaphore(%run_scoped3A : memref<!tpu.dma_semaphore, #tpu.memory_space<semaphore_mem>>)
        %dma_wait3A_913 = arith.constant 0 : i32
        %dma_wait3A_914 = tpu.memref_slice %arg5[%arg0, %dma_wait3A_913] : memref<2x16xf32, #tpu.memory_space<hbm>> -> memref<1x16xf32, #tpu.memory_space<hbm>>
        %dma_wait3A_915 = tpu.memref_squeeze %dma_wait3A_914 : memref<1x16xf32, #tpu.memory_space<hbm>> -> memref<16xf32, #tpu.memory_space<hbm>>
        %dma_wait3A_916 = arith.constant 0 : i32
        %dma_wait3A_917 = tpu.memref_slice %arg5[%arg0, %dma_wait3A_916] : memref<2x16xf32, #tpu.memory_space<hbm>> -> memref<1x16xf32, #tpu.memory_space<hbm>>
        %dma_wait3A_918 = tpu.memref_squeeze %dma_wait3A_917 : memref<1x16xf32, #tpu.memory_space<hbm>> -> memref<16xf32, #tpu.memory_space<hbm>>
        tpu.wait_dma2 semaphore(%run_scoped3A : memref<!tpu.dma_semaphore, #tpu.memory_space<semaphore_mem>>) src(%arg11 : memref<16xf32, #tpu.memory_space<vmem>>) dst(%dma_wait3A_918 : memref<16xf32, #tpu.memory_space<hbm>>)
        tpu.yield
      }) : () -> ()
    } else {
    }
    return
  }
}

</mosaic_0001>

<sc_bundles>
// kernel: kernel.3.cloned.1.call-start
scs
__scs_entry_jumppad:
0x0: {  	(pc) =	sbr.rel $0x88, $3  }
0x1: {  	(tag) =	ssettag $0x0;
	lr =	simm.s32 $0x1  }
0x2: {  	[smem:$0x3F9E] =	sst lr;
	_ =	strace $0xD0000000  }
0x3: {  	_ = 	snop  }
0x4: {  	_ = 	snop  }
0x5: {  	_ = 	snop  }
0x6: {  	_ = 	snop  }
0x7: {  	_ = 	snop  }
__scs_overlays_trampoline_lowered:
0x8: {  	[smem:$0x3FAD] =	sst s0  }
0x9: {  	[smem:$0x3FAE] =	sst s1  }
0xa: {  	[smem:$0x3FAF] =	sst s2  }
0xb: {  	[smem:$0x3FB0] =	sst s3  }
0xc: {  	[smem:$0x3FB1] =	sst s4  }
0xd: {  	[smem:$0x3FB2] =	sst s5  }
0xe: {  	[smem:$0x3FB3] =	sst s6  }
0xf: {  	[smem:$0x3FB4] =	sst s7  }
0x10: {  	[smem:$0x3FB5] =	sst s8  }
0x11: {  	[smem:$0x3FB6] =	sst s9;
	s0 =	simm.s32 @!p0 $0x0  }
0x12: {  	s1 =	sld [smem:$0x3F9C];
	s0 =	simm.s32 @p0 $0x1  }
0x13: {  	[smem:$0x3FB7] =	sst s0;
	s0 =	simm.s32 @!p1 $0x0  }
0x14: {  	s2 =	sld [smem:$0x3F9B];
	s0 =	simm.s32 @p1 $0x1  }
0x15: {  	[smem:$0x3FB8] =	sst s0;
	s0 =	simm.s32 @!p2 $0x0  }
0x16: {  	s3 =	sld [smem:$0x3FDB];
	s0 =	simm.s32 @p2 $0x1  }
0x17: {  	s4 =	simm.s32 $0x1BF5;
	[smem:$0x3FBA] =	sst s0  }
0x18: {  	s0 =	sld [smem:$0x3F9D];
	_ =	swait.ge [sflag:s4], $0x0  }
0x19: {  	s7 =	sld [smem:$0x3F9E]  }
0x1a: {  	s8 =	sadd.s32 $0xFFFFE003, lr  }
0x1b: {  	s9 =	sadd.s32 $0xFFFFFEF7, lr;
	s5 =	simm.s32 $0xFFFFFFFF;
	p2 =	slt.u32 s8, $0xFFFFF086  }
0x1c: {  	p1 =	slt.u32 s9, $0xF7A;
	s5 =	simm.s32 @!p2 $0x0  }
0x1d: {  	s5 =	simm.s32 @p1 $0x1;
	p0 =	seq.s32 s7, s2  }
0x1e: {  	s7 =	smul.u32 @!p0 $0xF7A, s2;
	p2 =	seq.s32 @!p0 s5, $0x0  }
0x1f: {  	s9 =	smul.u32 $0xF7A, s1;
	s8 =	simm.s32 @!p0 $0x1BF5;
	p2 =	por !p2, p0  }
0x20: {  	[sflag:s8] =	ssyncset.s32 @!p0 $0xFFFFF086;
	s6 =	sadd.s32 @!p0 s3, s7;
	s7 =	simm.s32 @!p0 $0x108  }
0x21: {  	s3 =	sadd.s32 s3, s9;
	s6 =	sadd.s32 @!p0 $0x88, s6;
	s7 =	simm.s32 @p2 $0x1082  }
0x22: {  	[simem:s7], [sflag:s8] =	dma.local @!p0 [hbm:s6], $0xF7A  }
0x23: {  	s9 =	sor.u32 $0xD0000000, s2;
	s6 =	simm.s32 $0x108;
	_ =	swait.ge @!p0 [sflag:s8], $0x0  }
0x24: {  	s3 =	sadd.s32 $0x88, s3;
	s6 =	simm.s32 @!p1 $0x1082;
	[sflag:s4] =	ssyncset.s32 $0xFFFFF086  }
0x25: {  	[simem:s6], [sflag:s4] =	dma.local [hbm:s3], $0xF7A  }
0x26: {  	[smem:$0x3F9E] =	sst s1;
	(tag) =	ssettag s2;
	_ =	strace s9  }
0x27: {  	s1 =	sld [smem:$0x3FAE]  }
0x28: {  	s2 =	sld [smem:$0x3FAF]  }
0x29: {  	s4 =	sld [smem:$0x3FB1]  }
0x2a: {  	p0 =	seq.s32 s5, $0x0;
	s5 =	sld [smem:$0x3FB2]  }
0x2b: {  	s6 =	sld [smem:$0x3FB3]  }
0x2c: {  	s7 =	sld [smem:$0x3FB4]  }
0x2d: {  	s3 =	simm.s32 $0x108;
	s8 =	sld [smem:$0x3FB5]  }
0x2e: {  	s3 =	simm.s32 @!p0 $0x1082;
	s9 =	sld [smem:$0x3FB6]  }
0x2f: {  	lr =	sadd.s32 s0, s3;
	s0 =	sld [smem:$0x3FAD]  }
0x30: {  	s3 =	sld [smem:$0x3FB0]  }
0x31: {  	[smem:$0x3FB9] =	sst s10  }
0x32: {  	s10 =	sld [smem:$0x3FB7];
	_ =	sdelay $0x3  }
0x33: {  	p0 =	seq.s32 s10, $0x1;
	s10 =	sld [smem:$0x3FB9];
	_ =	sdelay $0x3  }
0x34: {  	[smem:$0x3FB9] =	sst s10  }
0x35: {  	s10 =	sld [smem:$0x3FB8];
	_ =	sdelay $0x3  }
0x36: {  	p1 =	seq.s32 s10, $0x1;
	s10 =	sld [smem:$0x3FB9];
	_ =	sdelay $0x3  }
0x37: {  	[smem:$0x3FB9] =	sst s10  }
0x38: {  	s10 =	sld [smem:$0x3FBA]  }
0x39: {  	_ = 	snop;
	(pc) =	sbr.ind lr, $3  }
0x3a: {  	_ = 	snop  }
0x3b: {  	_ = 	snop  }
0x3c: {  	p2 =	seq.s32 s10, $0x1;
	s10 =	sld [smem:$0x3FB9]  }
0x3d: {  	_ =	shalt  }
0x3e: {  	_ =	shalt  }
0x3f: {  	_ =	shalt  }
0x40: {  	_ =	shalt  }
0x41: {  	_ =	shalt  }
0x42: {  	_ =	shalt  }
0x43: {  	_ =	shalt  }
0x44: {  	_ =	shalt  }
0x45: {  	_ =	shalt  }
0x46: {  	_ =	shalt  }
0x47: {  	_ =	shalt  }
0x48: {  	_ =	shalt  }
0x49: {  	_ =	shalt  }
0x4a: {  	_ =	shalt  }
0x4b: {  	_ =	shalt  }
0x4c: {  	_ =	shalt  }
0x4d: {  	_ =	shalt  }
0x4e: {  	_ =	shalt  }
0x4f: {  	_ =	shalt  }
0x50: {  	_ =	shalt  }
0x51: {  	_ =	shalt  }
0x52: {  	_ =	shalt  }
0x53: {  	_ =	shalt  }
0x54: {  	_ =	shalt  }
0x55: {  	_ =	shalt  }
0x56: {  	_ =	shalt  }
0x57: {  	_ =	shalt  }
0x58: {  	_ =	shalt  }
0x59: {  	_ =	shalt  }
0x5a: {  	_ =	shalt  }
0x5b: {  	_ =	shalt  }
0x5c: {  	_ =	shalt  }
0x5d: {  	_ =	shalt  }
0x5e: {  	_ =	shalt  }
0x5f: {  	_ =	shalt  }
0x60: {  	_ =	shalt  }
0x61: {  	_ =	shalt  }
0x62: {  	_ =	shalt  }
0x63: {  	_ =	shalt  }
0x64: {  	_ =	shalt  }
0x65: {  	_ =	shalt  }
0x66: {  	_ =	shalt  }
0x67: {  	_ =	shalt  }
0x68: {  	_ =	shalt  }
0x69: {  	_ =	shalt  }
0x6a: {  	_ =	shalt  }
0x6b: {  	_ =	shalt  }
0x6c: {  	_ =	shalt  }
0x6d: {  	_ =	shalt  }
0x6e: {  	_ =	shalt  }
0x6f: {  	_ =	shalt  }
0x70: {  	_ =	shalt  }
0x71: {  	_ =	shalt  }
0x72: {  	_ =	shalt  }
0x73: {  	_ =	shalt  }
0x74: {  	_ =	shalt  }
0x75: {  	_ =	shalt  }
0x76: {  	_ =	shalt  }
0x77: {  	_ =	shalt  }
0x78: {  	_ =	shalt  }
0x79: {  	_ =	shalt  }
0x7a: {  	_ =	shalt  }
0x7b: {  	_ =	shalt  }
0x7c: {  	_ =	shalt  }
0x7d: {  	_ =	shalt  }
0x7e: {  	_ =	shalt  }
0x7f: {  	_ =	shalt  }
0x80: {  	_ =	shalt  }
0x81: {  	_ =	shalt  }
0x82: {  	_ =	shalt  }
0x83: {  	_ =	shalt  }
0x84: {  	_ =	shalt  }
0x85: {  	_ =	shalt  }
0x86: {  	_ =	shalt  }
0x87: {  	_ =	shalt  }
.Lfunc_end0:
.L_simem_size_0:
called_computation_lowered:
.L_overlay_start_0:
0x88: {  	s2 =	sld [smem:$0x3FD9]  }
0x89: {  	s3 =	sld [smem:$0x3FFE];
	_ =	sdelay $0x1  }
0x8a: {  	s1 =	srdreg.scid  }
0x8b: {  	s0 =	sand.u32 $0x1, s1  }
0x8c: {  	s17 =	sshll.u32 s0, $0xA;
	s2 =	sadd.s32 s3, s2  }
0x8d: {  	s2 =	sadd.s32 s2, s17  }
0x8e: {  	[smem:$0x3FC5] =	sst s2  }
0x8f: {  	_ = 	snop  }
0x90: {  	s2 =	sld [smem:$0x3FC9]  }
0x91: {  	s18 =	sld [smem:$0x3FC8]  }
0x92: {  	s4 =	sld [smem:$0x3FC7];
	(tm) =	ssettm $0x1  }
0x93: {  	s5 =	sld [smem:$0x3FFB];
	_ =	sdelay $0x3  }
0x94: {  	_ =	strace s5  }
0x95: {  	s5 =	sld [smem:$0x3FFC];
	_ =	sdelay $0x3  }
0x96: {  	_ =	strace s5  }
0x97: {  	s5 =	sld [smem:$0x3FFD];
	_ =	sdelay $0x3  }
0x98: {  	_ =	strace s5  }
0x99: {  	_ =	strace $0x8FFFFFFF  }
0x9a: {  	s19 =	sld [smem:$0x3FDB];
	_ =	sdelay $0x1  }
0x9b: {  	s6 =	simm.s32 $_scs_section_size  }
0x9c: {  	s7 =	simm.s32 $_size__tile_overlayer_lowered;
	s8 =	simm.s32 $_tile_overlayer_lowered  }
0x9d: {  	s22 =	simm.s32 $0x1BFF;
	s21 =	sshll.u32 s8, $0x1;
	s5 =	sadd.s32 s6, s19  }
0x9e: {  	s9 =	simm.s32 $0x0;
	s20 =	sshll.u32 s7, $0x1;
	s7 =	sadd.s32 s21, s5  }
0x9f: {  	[timem:s9], [sflag:s22] =	dma.local [hbm:s7], s20  }
0xa0: {  	_ =	swait.ge [sflag:s22], s20  }
0xa1: {  	s6 =	ssub.s32 $0x0, s20;
	[sflag:s22] =	ssyncset.done $0x0  }
0xa2: {  	[sflag:s22] =	ssyncadd.s32 s6;
	_ =	sdelay $0x1  }
0xa3: {  	s23 =	simm.s32 $0x1B8B  }
0xa4: {  	_ =	swait.ge [sflag:s23], $0x1  }
0xa5: {  	[sflag:s23] =	ssyncset.done $0x0  }
0xa6: {  	s25 =	simm.s32 $0x1B8E;
	s24 =	sld [smem:$0x3FFE];
	[sflag:s23] =	ssyncadd.s32 $0xFFFFFFFF  }
0xa7: {  	s26 =	simm.s32 $execute0_lowered;
	[smem:$0x3FD2] =	sst s25  }
0xa8: {  	s7 =	sshll.u32 s26, $0x1;
	_ =	strace $0x80000046;
	[dreg:$0x1] =	wrdreg $0xFFFFFFFF  }
0xa9: {  	s28 =	simm.s32 $_size_execute0_lowered;
	s5 =	sadd.s32 s5, s7;
	[dreg:$0x0] =	wrdreg $0x0  }
0xaa: {  	s7 =	sshll.u32 s28, $0x1;
	[dreg:$0x2] =	wrdreg s5  }
0xab: {  	[dreg:$0x3] =	wrdreg s7  }
0xac: {  	[dreg:$0x4] =	wrdreg $0xC0  }
0xad: {  	_ =	task [dreg:s9], $0x5FFFF  }
0xae: {  	[dreg:$0x1] =	wrdreg $0xFFFFFFFF  }
0xaf: {  	[dreg:$0x0] =	wrdreg $0x60  }
0xb0: {  	[dreg:$0x2] =	wrdreg s2  }
0xb1: {  	[dreg:$0x3] =	wrdreg s18  }
0xb2: {  	[dreg:$0x4] =	wrdreg s4  }
0xb3: {  	[dreg:$0x5] =	wrdreg s24  }
0xb4: {  	[dreg:$0x6] =	wrdreg $0x10B800  }
0xb5: {  	[dreg:$0x7] =	wrdreg $0x9  }
0xb6: {  	_ =	task.clear_ibuf [dreg:s9], $0x8FFFF;
	_ =	strace $0x90000046  }
0xb7: {  	s29 =	simm.s32 $0x9;
	_ =	strace $0x80000048  }
0xb8: {  	_ =	swait.ge [sflag:s29], $0x1  }
0xb9: {  	[sflag:s29] =	ssyncadd.s32 $0xFFFFFFFF  }
0xba: {  	_ =	strace $0x90000048  }
0xbb: {  	_ =	sfence  }
0xbc: {  	s30 =	sld [smem:$0x0];
	_ =	sdelay $0x2  }
0xbd: {  	s31 =	sshll.u32 s1, $0xD;
	s1 =	sshrl.u32 s1, $0x2  }
0xbe: {  	s3 =	sand.u32 $0x4000, s31;
	s1 =	sadd.s32 s1, s30  }
0xbf: {  	s0 =	sor.u32 s3, s0;
	s1 =	sshll.u32 s1, $0x11  }
0xc0: {  	s0 =	sor.u32 s1, s0  }
0xc1: {  	s0 =	sadd.s32 $0x8F2B, s0  }
0xc2: {  	[sflag:s0] =	ssyncadd.remote.s32 $0x1  }
0xc3: {  	_ =	sfence.sel $0xFFFF  }
0xc4: {  	[dreg:$0x0] =	wrdreg $0xFFFFFFFF;
	(pc) =	sbr.abs _section_cstart, $3  }
0xc5: {  	[dreg:$0x1] =	wrdreg $0xFFFFFFFF  }
0xc6: {  	_ =	task.clear_ibuf [dreg:s9], $0x2FFFF;
	_ =	strace $0x9FFFFFFF  }
0xc7: {  	(tm) =	ssettm $0x7FFFFFFF  }
tec
execute0_lowered:
.L_overlay_start_1:
0x0: {  	(tag) =	ssettag $0x1  }
0x1: {  	s2 =	rddreg [dreg:$0x0]  }
0x2: {  	s0 =	rddreg [dreg:$0x1]  }
0x3: {  	s1 =	rddreg [dreg:$0x2]  }
0x4: {  	s3 =	srdreg.scid;
	s11 =	rddreg [dreg:$0x3]  }
0x5: {  	s13 =	stileid.u32;
	s14 =	simm.s32 $0x80;
	s15 =	simm.s32 $0x100  }
0x6: {  	s16 =	simm.s32 $0x180;
	s17 =	simm.s32 $0x1;
	s18 =	simm.s32 $0x200  }
0x7: {  	s19 =	simm.s32 $0x60;
	s20 =	simm.s32 $0x1200;
	s21 =	simm.s32 $0x4200  }
0x8: {  	s22 =	simm.s32 $0x8200;
	s23 =	simm.s32 $0xC200;
	s24 =	simm.s32 $0x2  }
0x9: {  	s25 =	simm.s32 $0x10A80;
	s26 =	simm.s32 $0x4;
	s29 =	simm.s32 $0x3  }
0xa: {  	s30 =	simm.s32 $0x10B00;
	s31 =	simm.s32 $0x0;
	s12 =	sand.u32 $0x1, s3  }
0xb: {  	s3 =	rddreg [dreg:$0x4];
	s9 =	sshll.u32 s13, $0x9;
	p0 =	sne.s32 s13, $0x0  }
0xc: {  	s13 =	simm.s32 $0x20;
	s4 =	sshll.u32 s12, $0xD;
	s6 =	ssub.s32 $0x2, s12  }
0xd: {  	s10 =	sshrl.u32 s9, $0x2;
	s12 =	sshll.u32 s12, $0x4;
	s5 =	sor.u32 s9, s4  }
.Ltmp0:
0xe: {  	s4 =	simm.s32 $0x0;
	s7 =	sshrl.u32 s6, $0x1;
	(pc) =	sbr.rel .LBB2_1-.Ltmp0, $4  }
0xf: {  	s10 =	sadd.s32 s10, s3;
	s11 =	sadd.s32 s11, s12;
	s5 =	sshrl.u32 s5, $0x3  }
0x10: {  	[smem:$0x7FF] =	sst s4;
	s28 =	ssub.s32 s6, s7;
	s5 =	sadd.s32 s2, s5  }
0x11: {  	_ =	strace $0x80000047;
	s12 =	smax.u32 s28, $0x1;
	s6 =	sadd.s32 $0x4, s5  }
0x12: {  	vm0 =	vmmov $0x1;
	s7 =	sadd.s32 $0x10, s5;
	s8 =	sadd.s32 $0x20, s5;
	s9 =	sadd.s32 $0x30, s5  }
.LBB2_13:
0x13: {  	s31 =	sadd.s32 $0x1, s31  }
0x14: {  	p1 =	sne.s32 s31, s12  }
.Ltmp1:
0x15: {  	_ = 	snop;
	(pc) =	sbr.rel @!p1 .LBB2_14-.Ltmp1, $1  }
0x16: {  	_ =	sdelay $0x3  }
.LBB2_1:
0x17: {  	s2 =	simm.s32 @!p0 $0x0;
	s28 =	simm.s32 @!p0 $0x10A00  }
0x18: {  	[tilespmem:s28], [sflag:$0x3] =	stream.linear.gather @!p0 [hbm4b:s0+s2], $0x80, $0x38;
	[tilespmem:$0x10C00] =	vst v63  }
0x19: {  	_ = 	snop  }
0x1a: {  	[tilespmem:s4], [sflag:$0x1] =	stream.linear.gather [hbm4b:s5+s4], $0x20, $0x38;
	[tilespmem:$0x10C00] =	vst v63  }
0x1b: {  	_ = 	snop  }
0x1c: {  	[tilespmem:s13], [sflag:$0x1] =	stream.linear.gather [hbm4b:s6+s4], $0x60, $0x38;
	[tilespmem:$0x10C00] =	vst v63  }
0x1d: {  	_ = 	snop  }
0x1e: {  	[tilespmem:s14], [sflag:$0x1] =	stream.linear.gather [hbm4b:s7+s4], $0x80, $0x38;
	[tilespmem:$0x10C00] =	vst v63  }
0x1f: {  	_ = 	snop  }
0x20: {  	[tilespmem:s15], [sflag:$0x1] =	stream.linear.gather [hbm4b:s8+s4], $0x80, $0x38;
	[tilespmem:$0x10C00] =	vst v63  }
0x21: {  	_ = 	snop  }
0x22: {  	[tilespmem:s16], [sflag:$0x1] =	stream.linear.gather [hbm4b:s9+s4], $0x80, $0x38;
	[tilespmem:$0x10C00] =	vst v63  }
0x23: {  	_ =	swait.ge [sflag:s17], $0x20  }
0x24: {  	[sflag:s17] =	ssyncset.done $0x0  }
0x25: {  	[sflag:s17] =	ssyncadd.s32 $0xFFFFFFE0  }
0x26: {  	[tilespmem:s18], [sflag:$0x2] =	stream.indirect.gather [hbm4b:s1+s13], $0x80, s4, s13, $0xb8;
	[tilespmem:$0x10C00] =	vst v63  }
0x27: {  	_ =	swait.ge [sflag:s17], $0x60  }
0x28: {  	[sflag:s17] =	ssyncset.done $0x0  }
0x29: {  	[sflag:s17] =	ssyncadd.s32 $0xFFFFFFA0  }
0x2a: {  	[tilespmem:s20], [sflag:$0x2] =	stream.indirect.gather [hbm4b:s1+s19], $0x80, s13, s19, $0xb8;
	[tilespmem:$0x10C00] =	vst v63  }
0x2b: {  	_ =	swait.ge [sflag:s17], $0x80  }
0x2c: {  	[sflag:s17] =	ssyncset.done $0x0  }
0x2d: {  	[sflag:s17] =	ssyncadd.s32 $0xFFFFFF80  }
0x2e: {  	[tilespmem:s21], [sflag:$0x2] =	stream.indirect.gather [hbm4b:s1+s14], $0x80, s14, s14, $0xb8;
	[tilespmem:$0x10C00] =	vst v63  }
0x2f: {  	_ =	swait.ge [sflag:s17], $0x80  }
0x30: {  	[sflag:s17] =	ssyncset.done $0x0  }
0x31: {  	[sflag:s17] =	ssyncadd.s32 $0xFFFFFF80  }
0x32: {  	[tilespmem:s22], [sflag:$0x2] =	stream.indirect.gather [hbm4b:s1+s14], $0x80, s15, s14, $0xb8;
	[tilespmem:$0x10C00] =	vst v63  }
0x33: {  	_ =	swait.ge [sflag:s17], $0x80  }
0x34: {  	[sflag:s17] =	ssyncset.done $0x0  }
0x35: {  	[sflag:s17] =	ssyncadd.s32 $0xFFFFFF80  }
0x36: {  	[tilespmem:s23], [sflag:$0x2] =	stream.indirect.gather [hbm4b:s1+s14], $0x80, s16, s14, $0xb8;
	[tilespmem:$0x10C00] =	vst v63  }
0x37: {  	_ =	swait.ge [sflag:s24], $0x1000  }
0x38: {  	[sflag:s24] =	ssyncset.done $0x0  }
0x39: {  	s2 =	simm.s32 $0x0;
	[sflag:s24] =	ssyncadd.s32 $0xFFFFF000  }
0x3a: {  	v7 =	vld [tilespmem:s2+$0x380]  }
0x3b: {  	v10 =	vld [tilespmem:s2+$0x390]  }
0x3c: {  	v11 =	vld [tilespmem:s2+$0x3A0]  }
0x3d: {  	v13 =	vld [tilespmem:s2+$0x3B0]  }
0x3e: {  	v1 =	vld [tilespmem:s2+$0x3C0]  }
0x3f: {  	v3 =	vld [tilespmem:s2+$0x3D0]  }
0x40: {  	v12 =	vld [tilespmem:s2+$0x300]  }
0x41: {  	v23 =	vld [tilespmem:s2+$0x310]  }
0x42: {  	v6 =	vld [tilespmem:s2+$0x320]  }
0x43: {  	v21 =	vld [tilespmem:s2+$0x330]  }
0x44: {  	v5 =	vld [tilespmem:s2+$0x340]  }
0x45: {  	v0 =	vld [tilespmem:s2+$0x280]  }
0x46: {  	v2 =	vld [tilespmem:s2+$0x290]  }
0x47: {  	v4 =	vld [tilespmem:s2+$0x200]  }
0x48: {  	v8 =	vld [tilespmem:s2+$0x210]  }
0x49: {  	v9 =	vld [tilespmem:s2+$0x220]  }
0x4a: {  	v14 =	vld [tilespmem:s2+$0x230]  }
0x4b: {  	v17 =	vld [tilespmem:s2+$0x2A0]  }
0x4c: {  	v18 =	vld [tilespmem:s2+$0x2B0]  }
0x4d: {  	v16 =	vimm.f32 $0.0e+00;
	v15 =	vld [tilespmem:s2+$0x350]  }
0x4e: {  	v25 =	vld [tilespmem:s2+$0x2C0];
	v4 =	vadd.f32 v4, v16  }
0x4f: {  	v27 =	vld [tilespmem:s2+$0x2D0];
	v8 =	vadd.f32 v8, v16;
	v9 =	vadd.f32 v9, v16  }
0x50: {  	v28 =	vld [tilespmem:s2+$0x240];
	v14 =	vadd.f32 v14, v16;
	v26 =	vadd.f32 v0, v4  }
0x51: {  	v19 =	vimm.f32 $0.0e+00;
	v29 =	vld [tilespmem:s2+$0x250];
	v31 =	vadd.f32 v2, v8;
	v32 =	vadd.f32 v17, v9  }
0x52: {  	s28 =	simm.s32 $0x800;
	v30 =	vld [tilespmem:s2+$0x260];
	v33 =	vadd.f32 v18, v14;
	v17 =	vimm.f32 $0.0e+00;
	v18 =	vimm.f32 $0.0e+00  }
.LBB2_2:
0x53: {  	p1 =	sne.s32 s28, $0x3800;
	v0 =	vld [tilespmem:s2+$0x270];
	v2 =	vadd.f32 v12, v26;
	v4 =	vadd.f32 v23, v31  }
0x54: {  	v8 =	vld [tilespmem:s2+$0x2E0];
	v6 =	vadd.f32 v6, v32;
	v9 =	vadd.f32 v21, v33  }
0x55: {  	v12 =	vld [tilespmem:s2+$0x2F0];
	v2 =	vadd.f32 v7, v2;
	v4 =	vadd.f32 v10, v4  }
0x56: {  	v14 =	vld [tilespmem:s2+$0x360];
	v20 =	vadd.f32 v11, v6;
	v9 =	vadd.f32 v13, v9  }
0x57: {  	v6 =	vadd.f32 v28, v16;
	v7 =	vadd.f32 v29, v19;
	v13 =	vld [tilespmem:s2+$0x370]  }
0x58: {  	v10 =	vadd.f32 v30, v17;
	v0 =	vadd.f32 v0, v18;
	v17 =	vld [tilespmem:s2+$0x3E0]  }
0x59: {  	v6 =	vadd.f32 v25, v6;
	v11 =	vadd.f32 v27, v7;
	v18 =	vld [tilespmem:s2+$0x3F0];
	s2 =	sshra.s32 s28, $0x2  }
0x5a: {  	v8 =	vadd.f32 v8, v10;
	v7 =	vld [tilespmem:s2+$0x380];
	v0 =	vadd.f32 v12, v0  }
0x5b: {  	v5 =	vadd.f32 v5, v6;
	v6 =	vadd.f32 v15, v11;
	v10 =	vld [tilespmem:s2+$0x390]  }
0x5c: {  	v8 =	vadd.f32 v14, v8;
	v11 =	vld [tilespmem:s2+$0x3A0];
	v0 =	vadd.f32 v13, v0  }
0x5d: {  	v16 =	vadd.f32 v1, v5;
	v19 =	vadd.f32 v3, v6;
	v13 =	vld [tilespmem:s2+$0x3B0]  }
0x5e: {  	v17 =	vadd.f32 v17, v8;
	v1 =	vld [tilespmem:s2+$0x3C0];
	v18 =	vadd.f32 v18, v0  }
0x5f: {  	v3 =	vld [tilespmem:s2+$0x3D0]  }
0x60: {  	v12 =	vld [tilespmem:s2+$0x300]  }
0x61: {  	v23 =	vld [tilespmem:s2+$0x310]  }
0x62: {  	v6 =	vld [tilespmem:s2+$0x320]  }
0x63: {  	v21 =	vld [tilespmem:s2+$0x330]  }
0x64: {  	v5 =	vld [tilespmem:s2+$0x340]  }
0x65: {  	v15 =	vld [tilespmem:s2+$0x350]  }
0x66: {  	v0 =	vld [tilespmem:s2+$0x280]  }
0x67: {  	v8 =	vld [tilespmem:s2+$0x290]  }
0x68: {  	v14 =	vld [tilespmem:s2+$0x200]  }
0x69: {  	v22 =	vld [tilespmem:s2+$0x210]  }
0x6a: {  	v24 =	vld [tilespmem:s2+$0x220]  }
0x6b: {  	v26 =	vld [tilespmem:s2+$0x230]  }
0x6c: {  	v32 =	vld [tilespmem:s2+$0x2A0]  }
0x6d: {  	v33 =	vld [tilespmem:s2+$0x2B0]  }
.Ltmp2:
0x6e: {  	v25 =	vld [tilespmem:s2+$0x2C0];
	(pc) =	sbr.rel @p1 .LBB2_2-.Ltmp2, $4  }
0x6f: {  	v2 =	vadd.f32 v14, v2;
	v4 =	vadd.f32 v22, v4;
	v27 =	vld [tilespmem:s2+$0x2D0]  }
0x70: {  	v14 =	vadd.f32 v24, v20;
	v9 =	vadd.f32 v26, v9;
	v28 =	vld [tilespmem:s2+$0x240]  }
0x71: {  	v26 =	vadd.f32 v0, v2;
	v31 =	vadd.f32 v8, v4;
	v29 =	vld [tilespmem:s2+$0x250]  }
0x72: {  	s28 =	sadd.s32 $0x800, s28;
	v32 =	vadd.f32 v32, v14;
	v30 =	vld [tilespmem:s2+$0x260];
	v33 =	vadd.f32 v33, v9  }
0x73: {  	v34 =	vld [tilespmem:s2+$0x270]  }
0x74: {  	v35 =	vld [tilespmem:s2+$0x2E0]  }
0x75: {  	v36 =	vld [tilespmem:s2+$0x2F0]  }
0x76: {  	v37 =	vld [tilespmem:s2+$0x360]  }
0x77: {  	v38 =	vld [tilespmem:s2+$0x370]  }
0x78: {  	v39 =	vld [tilespmem:s2+$0x3E0]  }
0x79: {  	v40 =	vld [tilespmem:s2+$0x3F0];
	_ =	swait.ge [sflag:s24], $0x3000  }
0x7a: {  	[sflag:s24] =	ssyncset.done $0x0  }
0x7b: {  	s2 =	simm.s32 $0x0;
	[sflag:s24] =	ssyncadd.s32 $0xFFFFD000  }
0x7c: {  	v4 =	vld [tilespmem:s2+$0x1380]  }
0x7d: {  	v8 =	vld [tilespmem:s2+$0x1390]  }
0x7e: {  	v9 =	vld [tilespmem:s2+$0x13A0]  }
0x7f: {  	v14 =	vld [tilespmem:s2+$0x13B0]  }
0x80: {  	v0 =	vld [tilespmem:s2+$0x13C0]  }
0x81: {  	v2 =	vld [tilespmem:s2+$0x13D0]  }
0x82: {  	v22 =	vld [tilespmem:s2+$0x1300]  }
0x83: {  	v24 =	vld [tilespmem:s2+$0x1310]  }
0x84: {  	v20 =	vld [tilespmem:s2+$0x1320]  }
0x85: {  	v12 =	vadd.f32 v12, v26;
	v23 =	vadd.f32 v23, v31;
	v26 =	vld [tilespmem:s2+$0x1330]  }
0x86: {  	v31 =	vadd.f32 v6, v32;
	v21 =	vadd.f32 v21, v33;
	v6 =	vld [tilespmem:s2+$0x1340]  }
0x87: {  	v7 =	vadd.f32 v7, v12;
	v10 =	vadd.f32 v10, v23;
	v12 =	vld [tilespmem:s2+$0x1350]  }
0x88: {  	v16 =	vadd.f32 v28, v16;
	v13 =	vadd.f32 v13, v21;
	v21 =	vld [tilespmem:s2+$0x1280]  }
0x89: {  	v11 =	vadd.f32 v11, v31;
	v19 =	vadd.f32 v29, v19;
	v28 =	vld [tilespmem:s2+$0x1200]  }
0x8a: {  	v29 =	vld [tilespmem:s2+$0x1220];
	v17 =	vadd.f32 v30, v17;
	v16 =	vadd.f32 v25, v16  }
0x8b: {  	v25 =	vld [tilespmem:s2+$0x1210];
	v18 =	vadd.f32 v34, v18;
	v19 =	vadd.f32 v27, v19  }
0x8c: {  	v30 =	vld [tilespmem:s2+$0x1230];
	v17 =	vadd.f32 v35, v17;
	v5 =	vadd.f32 v5, v16  }
0x8d: {  	v23 =	vld [tilespmem:s2+$0x1290];
	v18 =	vadd.f32 v36, v18;
	v15 =	vadd.f32 v15, v19  }
0x8e: {  	v63 =	vld [tilespmem:s2+$0x12A0];
	v19 =	vadd.f32 v37, v17;
	v16 =	vadd.f32 v1, v5  }
0x8f: {  	v1 =	vld [tilespmem:s2+$0x12B0];
	v27 =	vadd.f32 v38, v18;
	v17 =	vadd.f32 v3, v15  }
0x90: {  	v31 =	vld [tilespmem:s2+$0x1260];
	v3 =	vadd.f32 v28, v7;
	v5 =	vadd.f32 v25, v10  }
0x91: {  	v28 =	vld [tilespmem:s2+$0x12D0];
	v10 =	vadd.f32 v29, v11;
	v11 =	vadd.f32 v30, v13  }
0x92: {  	v29 =	vld [tilespmem:s2+$0x1240];
	v18 =	vadd.f32 v39, v19;
	v19 =	vadd.f32 v40, v27  }
0x93: {  	v30 =	vld [tilespmem:s2+$0x1250];
	v7 =	vadd.f32 v21, v3;
	v13 =	vadd.f32 v23, v5  }
0x94: {  	s28 =	simm.s32 $0x800;
	v27 =	vld [tilespmem:s2+$0x12C0];
	v32 =	vadd.f32 v63, v10;
	v33 =	vadd.f32 v1, v11  }
.LBB2_4:
0x95: {  	p1 =	sne.s32 s28, $0xB800;
	v1 =	vld [tilespmem:s2+$0x1270];
	v3 =	vadd.f32 v22, v7;
	v5 =	vadd.f32 v24, v13  }
0x96: {  	v7 =	vld [tilespmem:s2+$0x12E0];
	v10 =	vadd.f32 v20, v32;
	v11 =	vadd.f32 v26, v33  }
0x97: {  	v13 =	vld [tilespmem:s2+$0x12F0];
	v3 =	vadd.f32 v4, v3;
	v5 =	vadd.f32 v8, v5  }
0x98: {  	v15 =	vld [tilespmem:s2+$0x1360];
	v10 =	vadd.f32 v9, v10;
	v11 =	vadd.f32 v14, v11  }
0x99: {  	v4 =	vadd.f32 v29, v16;
	v8 =	vadd.f32 v30, v17;
	v14 =	vld [tilespmem:s2+$0x1370]  }
0x9a: {  	v9 =	vadd.f32 v31, v18;
	v1 =	vadd.f32 v1, v19;
	v18 =	vld [tilespmem:s2+$0x13E0]  }
0x9b: {  	v16 =	vadd.f32 v27, v4;
	v17 =	vadd.f32 v28, v8;
	v19 =	vld [tilespmem:s2+$0x13F0];
	s2 =	sshra.s32 s28, $0x2  }
0x9c: {  	v7 =	vadd.f32 v7, v9;
	v4 =	vld [tilespmem:s2+$0x1380];
	v1 =	vadd.f32 v13, v1  }
0x9d: {  	v6 =	vadd.f32 v6, v16;
	v12 =	vadd.f32 v12, v17;
	v8 =	vld [tilespmem:s2+$0x1390]  }
0x9e: {  	v7 =	vadd.f32 v15, v7;
	v9 =	vld [tilespmem:s2+$0x13A0];
	v1 =	vadd.f32 v14, v1  }
0x9f: {  	v16 =	vadd.f32 v0, v6;
	v17 =	vadd.f32 v2, v12;
	v14 =	vld [tilespmem:s2+$0x13B0]  }
0xa0: {  	v18 =	vadd.f32 v18, v7;
	v0 =	vld [tilespmem:s2+$0x13C0];
	v19 =	vadd.f32 v19, v1  }
0xa1: {  	v2 =	vld [tilespmem:s2+$0x13D0]  }
0xa2: {  	v22 =	vld [tilespmem:s2+$0x1300]  }
0xa3: {  	v24 =	vld [tilespmem:s2+$0x1310]  }
0xa4: {  	v20 =	vld [tilespmem:s2+$0x1320]  }
0xa5: {  	v26 =	vld [tilespmem:s2+$0x1330]  }
0xa6: {  	v6 =	vld [tilespmem:s2+$0x1340]  }
0xa7: {  	v12 =	vld [tilespmem:s2+$0x1350]  }
0xa8: {  	v1 =	vld [tilespmem:s2+$0x1280]  }
0xa9: {  	v13 =	vld [tilespmem:s2+$0x1290]  }
0xaa: {  	v7 =	vld [tilespmem:s2+$0x1200]  }
0xab: {  	v15 =	vld [tilespmem:s2+$0x1210]  }
0xac: {  	v21 =	vld [tilespmem:s2+$0x1220]  }
0xad: {  	v23 =	vld [tilespmem:s2+$0x1230]  }
0xae: {  	v25 =	vld [tilespmem:s2+$0x12A0]  }
0xaf: {  	v33 =	vld [tilespmem:s2+$0x12B0]  }
.Ltmp3:
0xb0: {  	v27 =	vld [tilespmem:s2+$0x12C0];
	(pc) =	sbr.rel @p1 .LBB2_4-.Ltmp3, $4  }
0xb1: {  	v3 =	vadd.f32 v7, v3;
	v5 =	vadd.f32 v15, v5;
	v28 =	vld [tilespmem:s2+$0x12D0]  }
0xb2: {  	v10 =	vadd.f32 v21, v10;
	v11 =	vadd.f32 v23, v11;
	v29 =	vld [tilespmem:s2+$0x1240]  }
0xb3: {  	v7 =	vadd.f32 v1, v3;
	v13 =	vadd.f32 v13, v5;
	v30 =	vld [tilespmem:s2+$0x1250]  }
0xb4: {  	s28 =	sadd.s32 $0x800, s28;
	v32 =	vadd.f32 v25, v10;
	v31 =	vld [tilespmem:s2+$0x1260];
	v33 =	vadd.f32 v33, v11  }
0xb5: {  	v34 =	vld [tilespmem:s2+$0x1270]  }
0xb6: {  	v35 =	vld [tilespmem:s2+$0x12E0]  }
0xb7: {  	v36 =	vld [tilespmem:s2+$0x12F0]  }
0xb8: {  	v37 =	vld [tilespmem:s2+$0x1360]  }
0xb9: {  	v38 =	vld [tilespmem:s2+$0x1370]  }
0xba: {  	v39 =	vld [tilespmem:s2+$0x13E0]  }
0xbb: {  	v40 =	vld [tilespmem:s2+$0x13F0];
	_ =	swait.ge [sflag:s24], $0x4000  }
0xbc: {  	[sflag:s24] =	ssyncset.done $0x0  }
0xbd: {  	s2 =	simm.s32 $0x0;
	[sflag:s24] =	ssyncadd.s32 $0xFFFFC000  }
0xbe: {  	v5 =	vld [tilespmem:s2+$0x4380]  }
0xbf: {  	v10 =	vld [tilespmem:s2+$0x4390]  }
0xc0: {  	v11 =	vld [tilespmem:s2+$0x43A0]  }
0xc1: {  	v15 =	vld [tilespmem:s2+$0x43B0]  }
0xc2: {  	v1 =	vld [tilespmem:s2+$0x43C0]  }
0xc3: {  	v3 =	vld [tilespmem:s2+$0x43D0]  }
0xc4: {  	v23 =	vld [tilespmem:s2+$0x4300]  }
0xc5: {  	v25 =	vld [tilespmem:s2+$0x4310]  }
0xc6: {  	v21 =	vld [tilespmem:s2+$0x4320]  }
0xc7: {  	v22 =	vadd.f32 v22, v7;
	v13 =	vadd.f32 v24, v13;
	v24 =	vld [tilespmem:s2+$0x4330]  }
0xc8: {  	v20 =	vadd.f32 v20, v32;
	v26 =	vadd.f32 v26, v33;
	v7 =	vld [tilespmem:s2+$0x4340]  }
0xc9: {  	v4 =	vadd.f32 v4, v22;
	v8 =	vadd.f32 v8, v13;
	v13 =	vld [tilespmem:s2+$0x4350]  }
0xca: {  	v9 =	vadd.f32 v9, v20;
	v20 =	vadd.f32 v14, v26;
	v22 =	vld [tilespmem:s2+$0x4280]  }
0xcb: {  	v14 =	vadd.f32 v29, v16;
	v16 =	vadd.f32 v30, v17;
	v30 =	vld [tilespmem:s2+$0x4290]  }
0xcc: {  	v17 =	vadd.f32 v31, v18;
	v18 =	vadd.f32 v34, v19;
	v19 =	vld [tilespmem:s2+$0x4200]  }
0xcd: {  	v14 =	vadd.f32 v27, v14;
	v16 =	vadd.f32 v28, v16;
	v27 =	vld [tilespmem:s2+$0x4210]  }
0xce: {  	v28 =	vld [tilespmem:s2+$0x4220];
	v17 =	vadd.f32 v35, v17;
	v18 =	vadd.f32 v36, v18  }
0xcf: {  	v29 =	vld [tilespmem:s2+$0x4230];
	v6 =	vadd.f32 v6, v14;
	v12 =	vadd.f32 v12, v16  }
0xd0: {  	v63 =	vld [tilespmem:s2+$0x42A0];
	v17 =	vadd.f32 v37, v17;
	v18 =	vadd.f32 v38, v18  }
0xd1: {  	v14 =	vadd.f32 v0, v6;
	v16 =	vadd.f32 v2, v12;
	v0 =	vld [tilespmem:s2+$0x42B0]  }
0xd2: {  	v26 =	vld [tilespmem:s2+$0x42C0];
	v17 =	vadd.f32 v39, v17;
	v2 =	vadd.f32 v19, v4  }
0xd3: {  	v4 =	vadd.f32 v27, v8;
	v27 =	vld [tilespmem:s2+$0x42D0];
	v8 =	vadd.f32 v28, v9  }
0xd4: {  	v9 =	vadd.f32 v29, v20;
	v28 =	vld [tilespmem:s2+$0x4240];
	v18 =	vadd.f32 v40, v18  }
0xd5: {  	v29 =	vld [tilespmem:s2+$0x4250];
	v6 =	vadd.f32 v22, v2;
	v31 =	vadd.f32 v30, v4  }
0xd6: {  	s28 =	simm.s32 $0x800;
	v30 =	vld [tilespmem:s2+$0x4260];
	v32 =	vadd.f32 v63, v8;
	v33 =	vadd.f32 v0, v9  }
.LBB2_6:
0xd7: {  	p1 =	sne.s32 s28, $0xF800;
	v0 =	vld [tilespmem:s2+$0x4270];
	v2 =	vadd.f32 v23, v6;
	v4 =	vadd.f32 v25, v31  }
0xd8: {  	v6 =	vld [tilespmem:s2+$0x42E0];
	v8 =	vadd.f32 v21, v32;
	v9 =	vadd.f32 v24, v33  }
0xd9: {  	v12 =	vld [tilespmem:s2+$0x42F0];
	v2 =	vadd.f32 v5, v2;
	v4 =	vadd.f32 v10, v4  }
0xda: {  	v19 =	vld [tilespmem:s2+$0x4360];
	v8 =	vadd.f32 v11, v8;
	v9 =	vadd.f32 v15, v9  }
0xdb: {  	v5 =	vadd.f32 v28, v14;
	v10 =	vadd.f32 v29, v16;
	v14 =	vld [tilespmem:s2+$0x4370]  }
0xdc: {  	v11 =	vadd.f32 v30, v17;
	v0 =	vadd.f32 v0, v18;
	v17 =	vld [tilespmem:s2+$0x43E0]  }
0xdd: {  	v15 =	vadd.f32 v26, v5;
	v16 =	vadd.f32 v27, v10;
	v18 =	vld [tilespmem:s2+$0x43F0];
	s2 =	sshra.s32 s28, $0x2  }
0xde: {  	v6 =	vadd.f32 v6, v11;
	v5 =	vld [tilespmem:s2+$0x4380];
	v0 =	vadd.f32 v12, v0  }
0xdf: {  	v7 =	vadd.f32 v7, v15;
	v12 =	vadd.f32 v13, v16;
	v10 =	vld [tilespmem:s2+$0x4390]  }
0xe0: {  	v6 =	vadd.f32 v19, v6;
	v11 =	vld [tilespmem:s2+$0x43A0];
	v0 =	vadd.f32 v14, v0  }
0xe1: {  	v14 =	vadd.f32 v1, v7;
	v16 =	vadd.f32 v3, v12;
	v15 =	vld [tilespmem:s2+$0x43B0]  }
0xe2: {  	v17 =	vadd.f32 v17, v6;
	v1 =	vld [tilespmem:s2+$0x43C0];
	v18 =	vadd.f32 v18, v0  }
0xe3: {  	v3 =	vld [tilespmem:s2+$0x43D0]  }
0xe4: {  	v23 =	vld [tilespmem:s2+$0x4300]  }
0xe5: {  	v25 =	vld [tilespmem:s2+$0x4310]  }
0xe6: {  	v21 =	vld [tilespmem:s2+$0x4320]  }
0xe7: {  	v24 =	vld [tilespmem:s2+$0x4330]  }
0xe8: {  	v7 =	vld [tilespmem:s2+$0x4340]  }
0xe9: {  	v13 =	vld [tilespmem:s2+$0x4350]  }
0xea: {  	v0 =	vld [tilespmem:s2+$0x4280]  }
0xeb: {  	v12 =	vld [tilespmem:s2+$0x4290]  }
0xec: {  	v6 =	vld [tilespmem:s2+$0x4200]  }
0xed: {  	v19 =	vld [tilespmem:s2+$0x4210]  }
0xee: {  	v20 =	vld [tilespmem:s2+$0x4220]  }
0xef: {  	v22 =	vld [tilespmem:s2+$0x4230]  }
0xf0: {  	v32 =	vld [tilespmem:s2+$0x42A0]  }
0xf1: {  	v33 =	vld [tilespmem:s2+$0x42B0]  }
.Ltmp4:
0xf2: {  	v26 =	vld [tilespmem:s2+$0x42C0];
	(pc) =	sbr.rel @p1 .LBB2_6-.Ltmp4, $4  }
0xf3: {  	v2 =	vadd.f32 v6, v2;
	v4 =	vadd.f32 v19, v4;
	v27 =	vld [tilespmem:s2+$0x42D0]  }
0xf4: {  	v8 =	vadd.f32 v20, v8;
	v9 =	vadd.f32 v22, v9;
	v28 =	vld [tilespmem:s2+$0x4240]  }
0xf5: {  	v6 =	vadd.f32 v0, v2;
	v31 =	vadd.f32 v12, v4;
	v29 =	vld [tilespmem:s2+$0x4250]  }
0xf6: {  	s28 =	sadd.s32 $0x800, s28;
	v32 =	vadd.f32 v32, v8;
	v30 =	vld [tilespmem:s2+$0x4260];
	v33 =	vadd.f32 v33, v9  }
0xf7: {  	v34 =	vld [tilespmem:s2+$0x4270]  }
0xf8: {  	v35 =	vld [tilespmem:s2+$0x42E0]  }
0xf9: {  	v36 =	vld [tilespmem:s2+$0x42F0]  }
0xfa: {  	v37 =	vld [tilespmem:s2+$0x4360]  }
0xfb: {  	v38 =	vld [tilespmem:s2+$0x4370]  }
0xfc: {  	v39 =	vld [tilespmem:s2+$0x43E0]  }
0xfd: {  	v40 =	vld [tilespmem:s2+$0x43F0];
	_ =	swait.ge [sflag:s24], $0x4000  }
0xfe: {  	[sflag:s24] =	ssyncset.done $0x0  }
0xff: {  	s2 =	simm.s32 $0x0;
	[sflag:s24] =	ssyncadd.s32 $0xFFFFC000  }
0x100: {  	v4 =	vld [tilespmem:s2+$0x8380]  }
0x101: {  	v8 =	vld [tilespmem:s2+$0x8390]  }
0x102: {  	v9 =	vld [tilespmem:s2+$0x83A0]  }
0x103: {  	v12 =	vld [tilespmem:s2+$0x83B0]  }
0x104: {  	v0 =	vld [tilespmem:s2+$0x83C0]  }
0x105: {  	v2 =	vld [tilespmem:s2+$0x83D0]  }
0x106: {  	v20 =	vld [tilespmem:s2+$0x8300]  }
0x107: {  	v22 =	vld [tilespmem:s2+$0x8310]  }
0x108: {  	v19 =	vld [tilespmem:s2+$0x8320]  }
0x109: {  	v41 =	vadd.f32 v23, v6;
	v25 =	vadd.f32 v25, v31;
	v23 =	vld [tilespmem:s2+$0x8330]  }
0x10a: {  	v21 =	vadd.f32 v21, v32;
	v24 =	vadd.f32 v24, v33;
	v6 =	vld [tilespmem:s2+$0x8340]  }
0x10b: {  	v31 =	vadd.f32 v5, v41;
	v14 =	vadd.f32 v28, v14;
	v5 =	vld [tilespmem:s2+$0x8350]  }
0x10c: {  	v11 =	vadd.f32 v11, v21;
	v21 =	vadd.f32 v15, v24;
	v24 =	vld [tilespmem:s2+$0x8280]  }
0x10d: {  	v10 =	vadd.f32 v10, v25;
	v15 =	vadd.f32 v29, v16;
	v25 =	vld [tilespmem:s2+$0x8290]  }
0x10e: {  	v28 =	vld [tilespmem:s2+$0x8200];
	v16 =	vadd.f32 v30, v17;
	v14 =	vadd.f32 v26, v14  }
0x10f: {  	v29 =	vld [tilespmem:s2+$0x8220];
	v17 =	vadd.f32 v34, v18;
	v15 =	vadd.f32 v27, v15  }
0x110: {  	v27 =	vld [tilespmem:s2+$0x8210];
	v16 =	vadd.f32 v35, v16;
	v7 =	vadd.f32 v7, v14  }
0x111: {  	v14 =	vld [tilespmem:s2+$0x8230];
	v17 =	vadd.f32 v36, v17;
	v13 =	vadd.f32 v13, v15  }
0x112: {  	v63 =	vld [tilespmem:s2+$0x82A0];
	v18 =	vadd.f32 v37, v16;
	v15 =	vadd.f32 v1, v7  }
0x113: {  	v1 =	vld [tilespmem:s2+$0x82B0];
	v26 =	vadd.f32 v38, v17;
	v16 =	vadd.f32 v3, v13  }
0x114: {  	v30 =	vld [tilespmem:s2+$0x8260];
	v3 =	vadd.f32 v28, v31;
	v17 =	vadd.f32 v39, v18  }
0x115: {  	v28 =	vld [tilespmem:s2+$0x8240];
	v7 =	vadd.f32 v27, v10;
	v10 =	vadd.f32 v29, v11  }
0x116: {  	v27 =	vld [tilespmem:s2+$0x82D0];
	v18 =	vadd.f32 v40, v26;
	v11 =	vadd.f32 v14, v21  }
0x117: {  	v29 =	vld [tilespmem:s2+$0x8250];
	v13 =	vadd.f32 v24, v3;
	v31 =	vadd.f32 v25, v7  }
0x118: {  	s28 =	simm.s32 $0x800;
	v26 =	vld [tilespmem:s2+$0x82C0];
	v32 =	vadd.f32 v63, v10;
	v33 =	vadd.f32 v1, v11  }
.LBB2_8:
0x119: {  	p1 =	sne.s32 s28, $0xF800;
	v1 =	vld [tilespmem:s2+$0x8270];
	v3 =	vadd.f32 v20, v13;
	v7 =	vadd.f32 v22, v31  }
0x11a: {  	v10 =	vld [tilespmem:s2+$0x82E0];
	v11 =	vadd.f32 v19, v32;
	v13 =	vadd.f32 v23, v33  }
0x11b: {  	v14 =	vld [tilespmem:s2+$0x82F0];
	v3 =	vadd.f32 v4, v3;
	v7 =	vadd.f32 v8, v7  }
0x11c: {  	v19 =	vld [tilespmem:s2+$0x8360];
	v11 =	vadd.f32 v9, v11;
	v13 =	vadd.f32 v12, v13  }
0x11d: {  	v4 =	vadd.f32 v28, v15;
	v8 =	vadd.f32 v29, v16;
	v12 =	vld [tilespmem:s2+$0x8370]  }
0x11e: {  	v9 =	vadd.f32 v30, v17;
	v1 =	vadd.f32 v1, v18;
	v17 =	vld [tilespmem:s2+$0x83E0]  }
0x11f: {  	v15 =	vadd.f32 v26, v4;
	v16 =	vadd.f32 v27, v8;
	v18 =	vld [tilespmem:s2+$0x83F0];
	s2 =	sshra.s32 s28, $0x2  }
0x120: {  	v10 =	vadd.f32 v10, v9;
	v4 =	vld [tilespmem:s2+$0x8380];
	v1 =	vadd.f32 v14, v1  }
0x121: {  	v6 =	vadd.f32 v6, v15;
	v5 =	vadd.f32 v5, v16;
	v8 =	vld [tilespmem:s2+$0x8390]  }
0x122: {  	v10 =	vadd.f32 v19, v10;
	v9 =	vld [tilespmem:s2+$0x83A0];
	v1 =	vadd.f32 v12, v1  }
0x123: {  	v15 =	vadd.f32 v0, v6;
	v16 =	vadd.f32 v2, v5;
	v12 =	vld [tilespmem:s2+$0x83B0]  }
0x124: {  	v17 =	vadd.f32 v17, v10;
	v0 =	vld [tilespmem:s2+$0x83C0];
	v18 =	vadd.f32 v18, v1  }
0x125: {  	v2 =	vld [tilespmem:s2+$0x83D0]  }
0x126: {  	v20 =	vld [tilespmem:s2+$0x8300]  }
0x127: {  	v22 =	vld [tilespmem:s2+$0x8310]  }
0x128: {  	v19 =	vld [tilespmem:s2+$0x8320]  }
0x129: {  	v23 =	vld [tilespmem:s2+$0x8330]  }
0x12a: {  	v6 =	vld [tilespmem:s2+$0x8340]  }
0x12b: {  	v5 =	vld [tilespmem:s2+$0x8350]  }
0x12c: {  	v1 =	vld [tilespmem:s2+$0x8280]  }
0x12d: {  	v10 =	vld [tilespmem:s2+$0x8290]  }
0x12e: {  	v14 =	vld [tilespmem:s2+$0x8200]  }
0x12f: {  	v21 =	vld [tilespmem:s2+$0x8210]  }
0x130: {  	v24 =	vld [tilespmem:s2+$0x8220]  }
0x131: {  	v25 =	vld [tilespmem:s2+$0x8230]  }
0x132: {  	v32 =	vld [tilespmem:s2+$0x82A0]  }
0x133: {  	v33 =	vld [tilespmem:s2+$0x82B0]  }
.Ltmp5:
0x134: {  	v26 =	vld [tilespmem:s2+$0x82C0];
	(pc) =	sbr.rel @p1 .LBB2_8-.Ltmp5, $4  }
0x135: {  	v3 =	vadd.f32 v14, v3;
	v7 =	vadd.f32 v21, v7;
	v27 =	vld [tilespmem:s2+$0x82D0]  }
0x136: {  	v11 =	vadd.f32 v24, v11;
	v14 =	vadd.f32 v25, v13;
	v28 =	vld [tilespmem:s2+$0x8240]  }
0x137: {  	v13 =	vadd.f32 v1, v3;
	v31 =	vadd.f32 v10, v7;
	v29 =	vld [tilespmem:s2+$0x8250]  }
0x138: {  	s28 =	sadd.s32 $0x800, s28;
	v32 =	vadd.f32 v32, v11;
	v30 =	vld [tilespmem:s2+$0x8260];
	v33 =	vadd.f32 v33, v14  }
0x139: {  	v34 =	vld [tilespmem:s2+$0x8270]  }
0x13a: {  	v35 =	vld [tilespmem:s2+$0x82E0]  }
0x13b: {  	v36 =	vld [tilespmem:s2+$0x82F0]  }
0x13c: {  	v37 =	vld [tilespmem:s2+$0x8360]  }
0x13d: {  	v38 =	vld [tilespmem:s2+$0x8370]  }
0x13e: {  	v39 =	vld [tilespmem:s2+$0x83E0]  }
0x13f: {  	v40 =	vld [tilespmem:s2+$0x83F0];
	_ =	swait.ge [sflag:s24], $0x4000  }
0x140: {  	[sflag:s24] =	ssyncset.done $0x0  }
0x141: {  	s2 =	simm.s32 $0x0;
	[sflag:s24] =	ssyncadd.s32 $0xFFFFC000  }
0x142: {  	v7 =	vld [tilespmem:s2+$0xC380]  }
0x143: {  	v10 =	vld [tilespmem:s2+$0xC390]  }
0x144: {  	v11 =	vld [tilespmem:s2+$0xC3A0]  }
0x145: {  	v14 =	vld [tilespmem:s2+$0xC3B0]  }
0x146: {  	v1 =	vld [tilespmem:s2+$0xC3C0]  }
0x147: {  	v3 =	vld [tilespmem:s2+$0xC3D0]  }
0x148: {  	v24 =	vld [tilespmem:s2+$0xC300]  }
0x149: {  	v25 =	vld [tilespmem:s2+$0xC310]  }
0x14a: {  	v21 =	vld [tilespmem:s2+$0xC320]  }
0x14b: {  	v41 =	vadd.f32 v20, v13;
	v22 =	vadd.f32 v22, v31;
	v20 =	vld [tilespmem:s2+$0xC330]  }
0x14c: {  	v19 =	vadd.f32 v19, v32;
	v23 =	vadd.f32 v23, v33;
	v13 =	vld [tilespmem:s2+$0xC340]  }
0x14d: {  	v60 =	vadd.f32 v4, v41;
	v22 =	vadd.f32 v8, v22;
	v4 =	vld [tilespmem:s2+$0xC350]  }
0x14e: {  	v8 =	vadd.f32 v28, v15;
	v12 =	vadd.f32 v12, v23;
	v23 =	vld [tilespmem:s2+$0xC280]  }
0x14f: {  	v19 =	vadd.f32 v9, v19;
	v9 =	vadd.f32 v29, v16;
	v16 =	vld [tilespmem:s2+$0xC290]  }
0x150: {  	v15 =	vadd.f32 v30, v17;
	v8 =	vadd.f32 v26, v8;
	v26 =	vld [tilespmem:s2+$0xC210]  }
0x151: {  	v17 =	vadd.f32 v34, v18;
	v18 =	vld [tilespmem:s2+$0xC200];
	v9 =	vadd.f32 v27, v9  }
0x152: {  	v27 =	vld [tilespmem:s2+$0xC220];
	v15 =	vadd.f32 v35, v15;
	v6 =	vadd.f32 v6, v8  }
0x153: {  	v61 =	vld [tilespmem:s2+$0xC230];
	v17 =	vadd.f32 v36, v17;
	v5 =	vadd.f32 v5, v9  }
0x154: {  	v62 =	vld [tilespmem:s2+$0xC2A0];
	v8 =	vadd.f32 v37, v15;
	v6 =	vadd.f32 v0, v6  }
0x155: {  	v63 =	vld [tilespmem:s2+$0xC2B0];
	v9 =	vadd.f32 v38, v17;
	v2 =	vadd.f32 v2, v5  }
0x156: {  	v15 =	vld [tilespmem:s2+$0xC250];
	v5 =	vadd.f32 v39, v8;
	v17 =	vadd.f32 v18, v60  }
0x157: {  	v8 =	vld [tilespmem:s2+$0xC2C0];
	v18 =	vadd.f32 v26, v22;
	v19 =	vadd.f32 v27, v19  }
0x158: {  	v22 =	vadd.f32 v61, v12;
	v12 =	vld [tilespmem:s2+$0xC240];
	v0 =	vadd.f32 v40, v9  }
0x159: {  	v9 =	vld [tilespmem:s2+$0xC2D0];
	v17 =	vadd.f32 v23, v17;
	v18 =	vadd.f32 v16, v18  }
0x15a: {  	s28 =	simm.s32 $0x800;
	v16 =	vld [tilespmem:s2+$0xC260];
	v19 =	vadd.f32 v62, v19;
	v22 =	vadd.f32 v63, v22  }
.LBB2_10:
0x15b: {  	p1 =	sne.s32 s28, $0xF800;
	v23 =	vld [tilespmem:s2+$0xC270];
	v17 =	vadd.f32 v24, v17;
	v18 =	vadd.f32 v25, v18  }
0x15c: {  	v24 =	vld [tilespmem:s2+$0xC2E0];
	v19 =	vadd.f32 v21, v19;
	v20 =	vadd.f32 v20, v22  }
0x15d: {  	v21 =	vld [tilespmem:s2+$0xC2F0];
	v17 =	vadd.f32 v7, v17;
	v18 =	vadd.f32 v10, v18  }
0x15e: {  	v22 =	vld [tilespmem:s2+$0xC360];
	v19 =	vadd.f32 v11, v19;
	v26 =	vadd.f32 v14, v20  }
0x15f: {  	v6 =	vadd.f32 v12, v6;
	v2 =	vadd.f32 v15, v2;
	v12 =	vld [tilespmem:s2+$0xC370]  }
0x160: {  	v5 =	vadd.f32 v16, v5;
	v0 =	vadd.f32 v23, v0;
	v15 =	vld [tilespmem:s2+$0xC3E0]  }
0x161: {  	v6 =	vadd.f32 v8, v6;
	v2 =	vadd.f32 v9, v2;
	v8 =	vld [tilespmem:s2+$0xC3F0];
	s2 =	sshra.s32 s28, $0x2  }
0x162: {  	v5 =	vadd.f32 v24, v5;
	v7 =	vld [tilespmem:s2+$0xC380];
	v0 =	vadd.f32 v21, v0  }
0x163: {  	v6 =	vadd.f32 v13, v6;
	v2 =	vadd.f32 v4, v2;
	v10 =	vld [tilespmem:s2+$0xC390]  }
0x164: {  	v4 =	vadd.f32 v22, v5;
	v11 =	vld [tilespmem:s2+$0xC3A0];
	v0 =	vadd.f32 v12, v0  }
0x165: {  	v6 =	vadd.f32 v1, v6;
	v2 =	vadd.f32 v3, v2;
	v14 =	vld [tilespmem:s2+$0xC3B0]  }
0x166: {  	v5 =	vadd.f32 v15, v4;
	v1 =	vld [tilespmem:s2+$0xC3C0];
	v0 =	vadd.f32 v8, v0  }
0x167: {  	v3 =	vld [tilespmem:s2+$0xC3D0]  }
0x168: {  	v24 =	vld [tilespmem:s2+$0xC300]  }
0x169: {  	v25 =	vld [tilespmem:s2+$0xC310]  }
0x16a: {  	v21 =	vld [tilespmem:s2+$0xC320]  }
0x16b: {  	v20 =	vld [tilespmem:s2+$0xC330]  }
0x16c: {  	v13 =	vld [tilespmem:s2+$0xC340]  }
0x16d: {  	v4 =	vld [tilespmem:s2+$0xC350]  }
0x16e: {  	v16 =	vld [tilespmem:s2+$0xC280]  }
0x16f: {  	v22 =	vld [tilespmem:s2+$0xC290]  }
0x170: {  	v9 =	vld [tilespmem:s2+$0xC200]  }
0x171: {  	v12 =	vld [tilespmem:s2+$0xC210]  }
0x172: {  	v15 =	vld [tilespmem:s2+$0xC220]  }
0x173: {  	v23 =	vld [tilespmem:s2+$0xC230]  }
0x174: {  	v27 =	vld [tilespmem:s2+$0xC2A0]  }
0x175: {  	v28 =	vld [tilespmem:s2+$0xC2B0]  }
.Ltmp6:
0x176: {  	v8 =	vld [tilespmem:s2+$0xC2C0];
	(pc) =	sbr.rel @p1 .LBB2_10-.Ltmp6, $4  }
0x177: {  	v17 =	vadd.f32 v9, v17;
	v18 =	vadd.f32 v12, v18;
	v9 =	vld [tilespmem:s2+$0xC2D0]  }
0x178: {  	v19 =	vadd.f32 v15, v19;
	v23 =	vadd.f32 v23, v26;
	v12 =	vld [tilespmem:s2+$0xC240]  }
0x179: {  	v17 =	vadd.f32 v16, v17;
	v18 =	vadd.f32 v22, v18;
	v15 =	vld [tilespmem:s2+$0xC250]  }
0x17a: {  	s28 =	sadd.s32 $0x800, s28;
	v19 =	vadd.f32 v27, v19;
	v16 =	vld [tilespmem:s2+$0xC260];
	v22 =	vadd.f32 v28, v23  }
0x17b: {  	v17 =	vadd.f32 v24, v17;
	v18 =	vadd.f32 v25, v18  }
0x17c: {  	v23 =	vld [tilespmem:s2+$0xC270];
	v19 =	vadd.f32 v21, v19;
	v20 =	vadd.f32 v20, v22  }
0x17d: {  	v55 =	vld [tilespmem:s2+$0xC2E0];
	v7 =	vadd.f32 v7, v17;
	v10 =	vadd.f32 v10, v18  }
0x17e: {  	v56 =	vld [tilespmem:s2+$0xC2F0];
	v6 =	vadd.f32 v12, v6;
	v11 =	vadd.f32 v11, v19  }
0x17f: {  	v57 =	vld [tilespmem:s2+$0xC360];
	v58 =	vadd.f32 v14, v20;
	v2 =	vadd.f32 v15, v2  }
0x180: {  	v59 =	vld [tilespmem:s2+$0xC370];
	v5 =	vadd.f32 v16, v5;
	v6 =	vadd.f32 v8, v6  }
0x181: {  	v60 =	vld [tilespmem:s2+$0xC3E0];
	v0 =	vadd.f32 v23, v0;
	v2 =	vadd.f32 v9, v2  }
0x182: {  	v61 =	vld [tilespmem:s2+$0xC3F0];
	[tilespmem:$0x10A80] =	vst v7;
	v5 =	vadd.f32 v55, v5;
	v6 =	vadd.f32 v13, v6  }
0x183: {  	[tilespmem:$0x10A90] =	vst v10;
	v0 =	vadd.f32 v56, v0;
	v2 =	vadd.f32 v4, v2  }
0x184: {  	[tilespmem:$0x10AA0] =	vst v11;
	v62 =	vadd.f32 v57, v5;
	v1 =	vadd.f32 v1, v6  }
0x185: {  	[tilespmem:$0x10AB0] =	vst v58;
	v0 =	vadd.f32 v59, v0;
	v2 =	vadd.f32 v3, v2  }
0x186: {  	v63 =	vadd.f32 v60, v62;
	[tilespmem:$0x10AC0] =	vst v1  }
0x187: {  	v0 =	vadd.f32 v61, v0;
	[tilespmem:$0x10AD0] =	vst v2  }
0x188: {  	[tilespmem:$0x10AE0] =	vst v63  }
0x189: {  	[tilespmem:$0x10AF0] =	vst v0  }
0x18a: {  	[spmem:s10] =	stream.linear.scatter [tilespmem:s25], [sflag:$0x4], $0x80, $0x38;
	[tilespmem:$0x10C00] =	vst v63  }
.Ltmp7:
0x18b: {  	_ =	swait.ge [sflag:s26], $0x80;
	(pc) =	sbr.rel @p0 .LBB2_13-.Ltmp7, $3  }
0x18c: {  	[sflag:s26] =	ssyncset.done $0x0  }
0x18d: {  	[sflag:s26] =	ssyncadd.s32 $0xFFFFFF80  }
0x18e: {  	[bflag:$0x0] =	sbarrier.arrive $0xFFFF;
	_ =	sdelay $0x1  }
0x18f: {  	s2 =	simm.s32 $0x10200  }
0x190: {  	[tilespmem:s2], [sflag:$0x4] =	stream.linear.gather [spmem:s3], $0x800, $0x38;
	[tilespmem:$0x10C00] =	vst v63  }
0x191: {  	_ =	swait.ge [sflag:s26], $0x800  }
0x192: {  	[sflag:s26] =	ssyncset.done $0x0  }
0x193: {  	[sflag:s26] =	ssyncadd.s32 $0xFFFFF800  }
0x194: {  	_ =	swait.ge [sflag:s29], $0x80  }
0x195: {  	[sflag:s29] =	ssyncset.done $0x0  }
0x196: {  	[sflag:s29] =	ssyncadd.s32 $0xFFFFFF80  }
0x197: {  	v0 =	vld [tilespmem:$0x10200]  }
0x198: {  	v1 =	vld [tilespmem:$0x10280]  }
0x199: {  	v2 =	vld [tilespmem:$0x10300]  }
0x19a: {  	v3 =	vld [tilespmem:$0x10380]  }
0x19b: {  	v11 =	vld [tilespmem:$0x10400]  }
0x19c: {  	v12 =	vld [tilespmem:$0x10480]  }
0x19d: {  	v13 =	vld [tilespmem:$0x10500]  }
0x19e: {  	v14 =	vld [tilespmem:$0x10580]  }
0x19f: {  	v15 =	vld [tilespmem:$0x10600]  }
0x1a0: {  	v17 =	vld [tilespmem:$0x10680]  }
0x1a1: {  	v19 =	vld [tilespmem:$0x10700]  }
0x1a2: {  	v4 =	vld [tilespmem:$0x10780]  }
0x1a3: {  	v45 =	vld [tilespmem:$0x10800]  }
0x1a4: {  	v46 =	vld [tilespmem:$0x10880]  }
0x1a5: {  	v47 =	vld [tilespmem:$0x10900]  }
0x1a6: {  	v48 =	vld [tilespmem:$0x10980]  }
0x1a7: {  	v5 =	vld [tilespmem:$0x10210]  }
0x1a8: {  	v6 =	vld [tilespmem:$0x10290]  }
0x1a9: {  	v20 =	vld [tilespmem:$0x10310]  }
0x1aa: {  	v21 =	vld [tilespmem:$0x10390]  }
0x1ab: {  	v22 =	vld [tilespmem:$0x10410]  }
0x1ac: {  	v23 =	vld [tilespmem:$0x10490]  }
0x1ad: {  	v24 =	vld [tilespmem:$0x10510]  }
0x1ae: {  	v25 =	vld [tilespmem:$0x10590]  }
0x1af: {  	v26 =	vld [tilespmem:$0x10610]  }
0x1b0: {  	v27 =	vld [tilespmem:$0x10690]  }
0x1b1: {  	v28 =	vld [tilespmem:$0x10710]  }
0x1b2: {  	v29 =	vld [tilespmem:$0x10790]  }
0x1b3: {  	v30 =	vld [tilespmem:$0x10810]  }
0x1b4: {  	v32 =	vld [tilespmem:$0x10890]  }
0x1b5: {  	v49 =	vld [tilespmem:$0x10910]  }
0x1b6: {  	v50 =	vld [tilespmem:$0x10990]  }
0x1b7: {  	v34 =	vld [tilespmem:$0x10220]  }
0x1b8: {  	v35 =	vld [tilespmem:$0x102A0]  }
0x1b9: {  	v36 =	vld [tilespmem:$0x10320]  }
0x1ba: {  	v37 =	vld [tilespmem:$0x103A0]  }
0x1bb: {  	v38 =	vld [tilespmem:$0x10420]  }
0x1bc: {  	v39 =	vld [tilespmem:$0x104A0]  }
0x1bd: {  	v40 =	vld [tilespmem:$0x10520]  }
0x1be: {  	v41 =	vld [tilespmem:$0x105A0]  }
0x1bf: {  	v42 =	vld [tilespmem:$0x10620]  }
0x1c0: {  	v43 =	vld [tilespmem:$0x106A0]  }
0x1c1: {  	v44 =	vld [tilespmem:$0x10720]  }
0x1c2: {  	v51 =	vld [tilespmem:$0x102B0]  }
0x1c3: {  	v52 =	vld [tilespmem:$0x10330]  }
0x1c4: {  	v53 =	vld [tilespmem:$0x103B0]  }
0x1c5: {  	v54 =	vld [tilespmem:$0x10430]  }
0x1c6: {  	v55 =	vld [tilespmem:$0x104B0]  }
0x1c7: {  	v56 =	vld [tilespmem:$0x10530]  }
0x1c8: {  	v57 =	vld [tilespmem:$0x105B0]  }
0x1c9: {  	v58 =	vld [tilespmem:$0x10630]  }
0x1ca: {  	v59 =	vld [tilespmem:$0x106B0]  }
0x1cb: {  	v60 =	vld [tilespmem:$0x10730]  }
0x1cc: {  	v61 =	vld [tilespmem:$0x107B0]  }
0x1cd: {  	v62 =	vld [tilespmem:$0x10830]  }
0x1ce: {  	v63 =	vld [tilespmem:$0x108B0]  }
0x1cf: {  	v9 =	vld [tilespmem:$0x109B0]  }
0x1d0: {  	v8 =	vld [tilespmem:$0x10240]  }
0x1d1: {  	v7 =	vld [tilespmem:$0x102C0]  }
0x1d2: {  	v10 =	vld [tilespmem:$0x10340]  }
0x1d3: {  	v16 =	vld [tilespmem:$0x103C0]  }
0x1d4: {  	v18 =	vld [tilespmem:$0x10440]  }
0x1d5: {  	v31 =	vld [tilespmem:$0x104C0]  }
0x1d6: {  	v33 =	vld [tilespmem:$0x10540]  }
0x1d7: {  	[tilespmem:$0x1FF80] =	vst v45;
	v45 =	vld [tilespmem:$0x107A0]  }
0x1d8: {  	[tilespmem:$0x1FF90] =	vst v46;
	v46 =	vld [tilespmem:$0x10820]  }
0x1d9: {  	[tilespmem:$0x1FFA0] =	vst v47;
	v47 =	vld [tilespmem:$0x108A0]  }
0x1da: {  	[tilespmem:$0x1FFC0] =	vst v48;
	v48 =	vld [tilespmem:$0x10920]  }
0x1db: {  	[tilespmem:$0x1FFB0] =	vst v49;
	v49 =	vld [tilespmem:$0x109A0]  }
0x1dc: {  	[tilespmem:$0x1FFD0] =	vst v50;
	v50 =	vld [tilespmem:$0x10230]  }
0x1dd: {  	[tilespmem:$0x1FF70] =	vst v4;
	v4 =	vld [tilespmem:$0x10930]  }
0x1de: {  	[tilespmem:$0x1FFE0] =	vst v33;
	v33 =	vld [tilespmem:$0x105C0]  }
0x1df: {  	v0 =	vadd.f32 v1, v0;
	v1 =	vld [tilespmem:$0x10640]  }
0x1e0: {  	v6 =	vadd.f32 v6, v5;
	v5 =	vld [tilespmem:$0x106C0];
	v35 =	vadd.f32 v35, v34  }
0x1e1: {  	v34 =	vld [tilespmem:$0x10740];
	v7 =	vadd.f32 v7, v8  }
0x1e2: {  	v2 =	vadd.f32 v2, v0;
	v0 =	vld [tilespmem:$0x107C0];
	v35 =	vadd.f32 v36, v35  }
0x1e3: {  	v6 =	vadd.f32 v20, v6;
	v36 =	vld [tilespmem:$0x10950]  }
0x1e4: {  	v7 =	vadd.f32 v10, v7;
	v35 =	vadd.f32 v37, v35;
	v37 =	vld [tilespmem:$0x107E0]  }
0x1e5: {  	v20 =	vadd.f32 v51, v50;
	v50 =	vadd.f32 v3, v2;
	v3 =	vld [tilespmem:$0x10840]  }
0x1e6: {  	v2 =	vld [tilespmem:$0x108C0]  }
0x1e7: {  	v7 =	vadd.f32 v16, v7;
	[tilespmem:$0x1FFF0] =	vst v33;
	v33 =	vld [tilespmem:$0x10850]  }
0x1e8: {  	v51 =	vadd.f32 v52, v20;
	v20 =	vld [tilespmem:$0x10940]  }
0x1e9: {  	v7 =	vadd.f32 v18, v7;
	v52 =	vadd.f32 v11, v50;
	v11 =	vld [tilespmem:$0x109C0]  }
0x1ea: {  	v6 =	vadd.f32 v21, v6;
	v50 =	vadd.f32 v38, v35;
	v35 =	vld [tilespmem:$0x106F0]  }
0x1eb: {  	v7 =	vadd.f32 v31, v7;
	v31 =	vld [tilespmem:$0x10760]  }
0x1ec: {  	v6 =	vadd.f32 v22, v6;
	v21 =	vadd.f32 v53, v51;
	v51 =	vld [tilespmem:$0x10250]  }
0x1ed: {  	v12 =	vadd.f32 v12, v52;
	v52 =	vld [tilespmem:$0x102D0]  }
0x1ee: {  	v6 =	vadd.f32 v23, v6;
	v53 =	vadd.f32 v39, v50;
	v50 =	vld [tilespmem:$0x10460]  }
0x1ef: {  	v39 =	vld [tilespmem:$0x10770]  }
0x1f0: {  	v6 =	vadd.f32 v24, v6;
	v24 =	vld [tilespmem:$0x103D0]  }
0x1f1: {  	v21 =	vadd.f32 v54, v21;
	v54 =	vld [tilespmem:$0x10350]  }
0x1f2: {  	v12 =	vadd.f32 v13, v12;
	v13 =	vadd.f32 v40, v53;
	v40 =	vld [tilespmem:$0x10860]  }
0x1f3: {  	v6 =	vadd.f32 v25, v6;
	v25 =	vld [tilespmem:$0x104D0]  }
0x1f4: {  	v21 =	vadd.f32 v55, v21;
	v12 =	vadd.f32 v14, v12;
	v14 =	vld [tilespmem:$0x10450]  }
0x1f5: {  	v13 =	vadd.f32 v41, v13;
	v55 =	vld [tilespmem:$0x1FF70]  }
0x1f6: {  	v6 =	vadd.f32 v26, v6;
	v26 =	vld [tilespmem:$0x105D0];
	v21 =	vadd.f32 v56, v21  }
0x1f7: {  	v12 =	vadd.f32 v15, v12;
	v15 =	vld [tilespmem:$0x10550]  }
0x1f8: {  	v13 =	vadd.f32 v42, v13;
	v56 =	vld [tilespmem:$0x1FF80];
	v21 =	vadd.f32 v57, v21  }
0x1f9: {  	v12 =	vadd.f32 v17, v12;
	v17 =	vld [tilespmem:$0x10650]  }
0x1fa: {  	v13 =	vadd.f32 v43, v13;
	v57 =	vld [tilespmem:$0x1FF90];
	v21 =	vadd.f32 v58, v21  }
0x1fb: {  	v58 =	vld [tilespmem:$0x10260]  }
0x1fc: {  	v13 =	vadd.f32 v44, v13;
	v44 =	vld [tilespmem:$0x1FFC0];
	v21 =	vadd.f32 v59, v21  }
0x1fd: {  	v6 =	vadd.f32 v27, v6;
	v12 =	vadd.f32 v19, v12;
	v59 =	vld [tilespmem:$0x102E0]  }
0x1fe: {  	v13 =	vadd.f32 v45, v13;
	v45 =	vld [tilespmem:$0x102F0];
	v21 =	vadd.f32 v60, v21  }
0x1ff: {  	v6 =	vadd.f32 v28, v6;
	v12 =	vadd.f32 v55, v12;
	v55 =	vld [tilespmem:$0x10470]  }
0x200: {  	v13 =	vadd.f32 v46, v13;
	v60 =	vld [tilespmem:$0x1FFA0];
	v21 =	vadd.f32 v61, v21  }
0x201: {  	v6 =	vadd.f32 v29, v6;
	v12 =	vadd.f32 v56, v12;
	v46 =	vld [tilespmem:$0x1FFD0]  }
0x202: {  	v56 =	vld [tilespmem:$0x10560];
	v13 =	vadd.f32 v47, v13;
	v21 =	vadd.f32 v62, v21  }
0x203: {  	v6 =	vadd.f32 v30, v6;
	v12 =	vadd.f32 v57, v12;
	v61 =	vld [tilespmem:$0x10360]  }
0x204: {  	v13 =	vadd.f32 v48, v13;
	v21 =	vadd.f32 v63, v21;
	v63 =	vld [tilespmem:$0x10270]  }
0x205: {  	v6 =	vadd.f32 v32, v6;
	v47 =	vld [tilespmem:$0x103E0]  }
0x206: {  	v48 =	vld [tilespmem:$0x10370];
	v12 =	vadd.f32 v60, v12;
	v13 =	vadd.f32 v49, v13  }
0x207: {  	v62 =	vld [tilespmem:$0x1FFB0];
	v49 =	vadd.f32 v52, v51;
	v51 =	vadd.f32 v59, v58  }
0x208: {  	v52 =	vld [tilespmem:$0x103F0];
	v12 =	vadd.f32 v44, v12;
	v4 =	vadd.f32 v4, v21  }
0x209: {  	v57 =	vld [tilespmem:$0x104F0];
	v10 =	vadd.f32 v61, v51;
	v53 =	vadd.f32 v45, v63  }
0x20a: {  	v4 =	vadd.f32 v9, v4;
	v9 =	vadd.f32 v54, v49;
	v54 =	vld [tilespmem:$0x104E0]  }
0x20b: {  	v61 =	vld [tilespmem:$0x1FFE0];
	v10 =	vadd.f32 v47, v10;
	v8 =	vadd.f32 v48, v53  }
0x20c: {  	v58 =	vld [tilespmem:$0x105E0];
	v6 =	vadd.f32 v62, v6;
	v9 =	vadd.f32 v24, v9  }
0x20d: {  	v10 =	vadd.f32 v50, v10;
	v24 =	vld [tilespmem:$0x1FFF0];
	v8 =	vadd.f32 v52, v8  }
0x20e: {  	v59 =	vld [tilespmem:$0x10570];
	v6 =	vadd.f32 v46, v6;
	v9 =	vadd.f32 v14, v9  }
0x20f: {  	v60 =	vld [tilespmem:$0x10660];
	v10 =	vadd.f32 v54, v10;
	v8 =	vadd.f32 v55, v8  }
0x210: {  	v62 =	vld [tilespmem:$0x105F0];
	v7 =	vadd.f32 v61, v7;
	v9 =	vadd.f32 v25, v9  }
0x211: {  	v63 =	vld [tilespmem:$0x106E0];
	v10 =	vadd.f32 v56, v10;
	v8 =	vadd.f32 v57, v8  }
0x212: {  	v25 =	vld [tilespmem:$0x10670];
	v7 =	vadd.f32 v24, v7;
	v9 =	vadd.f32 v15, v9  }
0x213: {  	v27 =	vld [tilespmem:$0x106D0];
	v32 =	vadd.f32 v58, v10;
	v8 =	vadd.f32 v59, v8  }
0x214: {  	v41 =	vld [tilespmem:$0x107F0];
	v1 =	vadd.f32 v1, v7;
	v9 =	vadd.f32 v26, v9  }
0x215: {  	v19 =	vld [tilespmem:$0x10750];
	v38 =	vadd.f32 v60, v32;
	v8 =	vadd.f32 v62, v8  }
0x216: {  	v42 =	vld [tilespmem:$0x108E0];
	v1 =	vadd.f32 v5, v1;
	v9 =	vadd.f32 v17, v9  }
0x217: {  	v28 =	vld [tilespmem:$0x107D0];
	v5 =	vadd.f32 v63, v38;
	v8 =	vadd.f32 v25, v8  }
0x218: {  	v29 =	vld [tilespmem:$0x108D0];
	v1 =	vadd.f32 v34, v1;
	v9 =	vadd.f32 v27, v9  }
0x219: {  	v30 =	vld [tilespmem:$0x109D0];
	v43 =	vadd.f32 v31, v5;
	v8 =	vadd.f32 v35, v8  }
0x21a: {  	v44 =	vld [tilespmem:$0x10870];
	v0 =	vadd.f32 v0, v1;
	v9 =	vadd.f32 v19, v9  }
0x21b: {  	v45 =	vld [tilespmem:$0x10960];
	v1 =	vadd.f32 v37, v43;
	v7 =	vadd.f32 v39, v8  }
0x21c: {  	v46 =	vld [tilespmem:$0x108F0];
	v0 =	vadd.f32 v3, v0;
	v9 =	vadd.f32 v28, v9  }
0x21d: {  	v47 =	vld [tilespmem:$0x109E0];
	v1 =	vadd.f32 v40, v1;
	v7 =	vadd.f32 v41, v7  }
0x21e: {  	v48 =	vld [tilespmem:$0x10970];
	v0 =	vadd.f32 v2, v0;
	v9 =	vadd.f32 v33, v9  }
0x21f: {  	v49 =	vld [tilespmem:$0x109F0];
	v1 =	vadd.f32 v42, v1;
	v5 =	vadd.f32 v44, v7  }
0x220: {  	[tilespmem:$0x10AA0] =	vst v13;
	v50 =	vld [tilespmem:$0x10A00];
	v0 =	vadd.f32 v20, v0;
	v9 =	vadd.f32 v29, v9  }
0x221: {  	[tilespmem:$0x10A80] =	vst v12;
	v1 =	vadd.f32 v45, v1;
	v3 =	vadd.f32 v46, v5  }
0x222: {  	[tilespmem:$0x10AB0] =	vst v4;
	v52 =	vld [tilespmem:$0x10A10];
	v0 =	vadd.f32 v11, v0;
	v51 =	vadd.f32 v36, v9  }
0x223: {  	[tilespmem:$0x10A90] =	vst v6;
	v54 =	vadd.f32 v47, v1;
	v2 =	vadd.f32 v48, v3  }
0x224: {  	v55 =	vld [tilespmem:$0x10A20];
	[tilespmem:$0x10AC0] =	vst v0;
	v53 =	vadd.f32 v30, v51  }
0x225: {  	[tilespmem:$0x10AE0] =	vst v54;
	v2 =	vadd.f32 v49, v2  }
0x226: {  	v56 =	vld [tilespmem:$0x10A30];
	[tilespmem:$0x10AD0] =	vst v53  }
0x227: {  	v57 =	vld [tilespmem:$0x10A40];
	[tilespmem:$0x10AF0] =	vst v2  }
0x228: {  	v2 =	vld.idx.msk [tilespmem:v50+s25+$0x0], $0xffff  }
0x229: {  	v58 =	vld [tilespmem:$0x10A50]  }
0x22a: {  	v4 =	vld.idx.msk [tilespmem:v52+s25+$0x0], $0xffff  }
0x22b: {  	v59 =	vld [tilespmem:$0x10A60]  }
0x22c: {  	v1 =	vld.idx.msk [tilespmem:v55+s25+$0x0], $0xffff  }
0x22d: {  	v60 =	vld [tilespmem:$0x10A70];
	v2 =	vadd.f32 $0.0e+00, v2  }
0x22e: {  	v0 =	vld.idx.msk [tilespmem:v56+s25+$0x0], $0xffff  }
0x22f: {  	v2 =	vadd.f32 v4, v2  }
0x230: {  	v3 =	vld.idx.msk [tilespmem:v57+s25+$0x0], $0xffff  }
0x231: {  	v1 =	vadd.f32 v1, v2  }
0x232: {  	v61 =	vld.idx.msk [tilespmem:v58+s25+$0x0], $0xffff  }
0x233: {  	v0 =	vadd.f32 v0, v1  }
0x234: {  	v62 =	vld.idx.msk [tilespmem:v59+s25+$0x0], $0xffff  }
0x235: {  	v0 =	vadd.f32 v3, v0  }
0x236: {  	v63 =	vld.idx.msk [tilespmem:v60+s25+$0x0], $0xffff  }
0x237: {  	v0 =	vadd.f32 v61, v0;
	_ =	sdelay $0x1  }
0x238: {  	v0 =	vadd.f32 v62, v0;
	_ =	sdelay $0x1  }
0x239: {  	v0 =	vadd.f32 v63, v0;
	_ =	sdelay $0x1  }
0x23a: {  	(xrf2) =	vadd.scan.msk.f32 $0xffff, v0;
	_ =	sdelay $0x9  }
0x23b: {  	v0, _, _ =	vpop (xrf2)  }
0x23c: {  	v0 =	vbroadcast v0, $0xF;
	_ =	sdelay $0x1  }
0x23d: {  	v0 =	vnsel vm0, $0x0, v0  }
.Ltmp8:
0x23e: {  	[tilespmem:$0x10B00] =	vst v0;
	(pc) =	sbr.rel .LBB2_13-.Ltmp8, $4  }
0x23f: {  	[hbm4b:s11+s4] =	stream.linear.scatter [tilespmem:s30], [sflag:$0x4], $0x80, $0x38;
	[tilespmem:$0x10C00] =	vst v63  }
0x240: {  	_ =	swait.ge [sflag:s26], $0x80  }
0x241: {  	[sflag:s26] =	ssyncset.done $0x0  }
0x242: {  	[sflag:s26] =	ssyncadd.s32 $0xFFFFFF80  }
.LBB2_14:
0x243: {  	_ =	sfence.sel $0x180000  }
0x244: {  	[bflag:$0x0] =	sbarrier.arrive $0xFFFF  }
0x245: {  	_ =	strace $0x90000047  }
0x246: {  	[bflag:$0x2] =	sbarrier.arrive $0xFFFF  }
0x247: {  	s0 =	rddreg [dreg:$0x5]  }
0x248: {  	s0 =	sadd.s32 @!p0 $0x100000, s0  }
0x249: {  	[sflag:s0] =	ssyncadd.tile.s32 @!p0 $0x1;
	_ =	shalt  }
.Lfunc_end2:
_tile_overlayer_lowered:
.L_overlay_start_2:
0x24a: {  	(tag) =	ssettag $0x2  }
0x24b: {  	s0 =	rddreg [dreg:$0x0];
	s2 =	stileid.u32  }
0x24c: {  	s1 =	rddreg [dreg:$0x1];
	p0 =	sne.s32 s2, $0x0  }
0x24d: {  	s3 =	rddreg [dreg:$0x2];
	[bflag:$0x3] =	sbarrier.arrive $0xFFFF;
	s2 =	simm.s32 @!p0 $0x1C04  }
0x24e: {  	[timem:s3], [sflag:s2] =	dma.local @!p0 [hbm:s0], s1  }
0x24f: {  	s0 =	simm.s32 @!p0 $0x4  }
0x250: {  	_ =	swait.ge @!p0 [sflag:s0], s1  }
0x251: {  	s1 =	ssub.s32 @!p0 $0x0, s1;
	[sflag:s0] =	ssyncset.done @!p0 $0x0  }
0x252: {  	[sflag:s0] =	ssyncadd.s32 @!p0 s1  }
0x253: {  	[bflag:$0x3] =	sbarrier.arrive $0xFFFF  }
0x254: {  	_ =	shalt  }

</sc_bundles>
